<compile_context>
chip_gen: v7x
topology: tpu7x:2x2x1
jax: 0.10.2.dev20260603
libtpu: 0.0.44.dev20260713+nightly
codegen_flags: <defaults>
</compile_context>

<pallas_src>
import functools

import jax
import jax.numpy as jnp
from jax import lax
from jax.experimental import pallas as pl
from jax.experimental.pallas import tpu as pltpu
from jax.experimental.pallas import tpu_sc as plsc

_N, _D = 10000, 128
_DH = _D // 2
_NC, _NS = 2, 16
_CHUNK = 128
_NCH = 2496
_CPT = _NCH // _NS
_RPT = 624
_PAGG = _N // 2
_BN_EPS = 1e-5


def _sc_agg(xv, z, em_r, em_c, lm_r, lm_c):
    mesh = plsc.VectorSubcoreMesh(core_axis_name="c", subcore_axis_name="s")

    @functools.partial(
        pl.kernel,
        out_type=jax.ShapeDtypeStruct((_N, _D), jnp.float32),
        mesh=mesh,
        compiler_params=pltpu.CompilerParams(use_tc_tiling_on_sc=False),
        scratch_types=[
            pltpu.VMEM((_CPT, _CHUNK), jnp.int32),
            pltpu.VMEM((_CPT, _CHUNK), jnp.int32),
            pltpu.VMEM((1, _CHUNK), jnp.int32),
            pltpu.VMEM((1, _CHUNK), jnp.int32),
            pltpu.VMEM((_CHUNK, _DH), jnp.float32),
            pltpu.VMEM((_CHUNK, _DH), jnp.float32),
            pltpu.VMEM((_CHUNK, _DH), jnp.float32),
            pltpu.VMEM((_CHUNK, _DH), jnp.float32),
            pltpu.VMEM_SHARED((_N, _DH), jnp.float32),
            pltpu.SemaphoreType.DMA,
            pltpu.SemaphoreType.DMA,
            pltpu.SemaphoreType.DMA,
            pltpu.SemaphoreType.DMA,
            pltpu.SemaphoreType.DMA,
            pltpu.SemaphoreType.DMA,
            pltpu.SemaphoreType.DMA,
            pltpu.SemaphoreType.DMA,
        ],
    )
    def k(xv_hbm, z_hbm, emr_hbm, emc_hbm, lmr_hbm, lmc_hbm, out_hbm,
          idx_r, idx_c, lx_r, lx_c, b0, b1, b2, b3, agg,
          g0, g1, g2, g3, s0, s1, s2, s3):
        c = lax.axis_index("c")
        s = lax.axis_index("s")
        xh = xv_hbm
        aggv = agg
        gb = (b0, b1, b2, b3)
        gs = (g0, g1, g2, g3)
        ss = (s0, s1, s2, s3)

        pltpu.sync_copy(emr_hbm.at[pl.ds(s * _CPT, _CPT)], idx_r)
        pltpu.sync_copy(emc_hbm.at[c].at[pl.ds(s * _CPT, _CPT)], idx_c)

        @pl.when(s < 4)
        def _():
            pltpu.sync_copy(lmr_hbm.at[pl.ds(s, 1)], lx_r)
            pltpu.sync_copy(lmc_hbm.at[c].at[pl.ds(s, 1)], lx_c)

        pltpu.sync_copy(z_hbm.at[pl.ds(s * _RPT, _RPT)],
                        agg.at[pl.ds(s * _RPT, _RPT)])

        @pl.when(s < 2)
        def _():
            base = _NS * _RPT + s * 8
            pltpu.sync_copy(z_hbm.at[pl.ds(base, 8)], agg.at[pl.ds(base, 8)])

        plsc.subcore_barrier()

        def G(j, k_):
            pltpu.async_copy(xh.at[idx_c.at[j]], gb[k_], gs[k_])

        def S(j, k_):
            pltpu.async_copy(gb[k_], aggv.at[idx_r.at[j]], ss[k_], add=True)

        def Wg(k_):
            pltpu.make_async_copy(xh.at[pl.ds(0, _CHUNK)], gb[k_], gs[k_]).wait()

        def Ws(k_):
            pltpu.make_async_copy(gb[k_], aggv.at[pl.ds(0, _CHUNK)], ss[k_]).wait()

        G(0, 0)
        G(1, 1)
        Wg(0)
        S(0, 0)
        G(2, 2)
        Wg(1)
        S(1, 1)
        G(3, 3)

        def steady(g, carry):
            for k_ in range(4):
                j = 4 + g * 4 + k_
                Ws(k_)
                Wg((k_ + 2) % 4)
                S(j - 2, (k_ + 2) % 4)
                G(j, k_)
            return carry

        lax.fori_loop(0, (_CPT - 4) // 4, steady, 0)
        Wg(2)
        S(_CPT - 2, 2)
        Wg(3)
        S(_CPT - 1, 3)
        Ws(0)
        Ws(1)
        Ws(2)
        Ws(3)

        @pl.when(s < 4)
        def _():
            pltpu.async_copy(xh.at[lx_c.at[0]], b0, g0).wait()
            pltpu.sync_copy(b0, aggv.at[lx_r.at[0]], add=True)

        plsc.subcore_barrier()
        pltpu.sync_copy(aggv.at[pl.ds(s * _RPT, _RPT)],
                        out_hbm.at[pl.ds(s * _RPT, _RPT), pl.ds(c * _DH, _DH)])

        @pl.when(s < 2)
        def _():
            base = _NS * _RPT + s * 8
            pltpu.sync_copy(aggv.at[pl.ds(base, 8)],
                            out_hbm.at[pl.ds(base, 8), pl.ds(c * _DH, _DH)])

    return k(xv, z, em_r, em_c, lm_r, lm_c)


def _tc_finish(x, p, eps11, W1, b1, g1, be1, W2, b2, g2, be2):
    def body(x_ref, p_ref, eps_ref, w1_ref, b1_ref, g1_ref, be1_ref,
             w2_ref, b2_ref, g2_ref, be2_ref, o_ref):
        eps = eps_ref[0, 0]
        h = eps * x_ref[...] + p_ref[...]
        h = jnp.dot(h, w1_ref[...], preferred_element_type=jnp.float32) + b1_ref[...]
        m = jnp.mean(h, axis=0, keepdims=True)
        v = jnp.mean((h - m) * (h - m), axis=0, keepdims=True)
        h = (h - m) * lax.rsqrt(v + _BN_EPS) * g1_ref[...] + be1_ref[...]
        h = jnp.maximum(h, 0.0)
        h = jnp.dot(h, w2_ref[...], preferred_element_type=jnp.float32) + b2_ref[...]
        m = jnp.mean(h, axis=0, keepdims=True)
        v = jnp.mean((h - m) * (h - m), axis=0, keepdims=True)
        h = (h - m) * lax.rsqrt(v + _BN_EPS) * g2_ref[...] + be2_ref[...]
        o_ref[...] = jnp.maximum(h, 0.0)

    return pl.pallas_call(
        body,
        out_shape=jax.ShapeDtypeStruct((_N, _D), jnp.float32),
    )(x, p, eps11, W1, b1, g1, be1, W2, b2, g2, be2)


def kernel(x, edge_index, eps, W1, b1, g1, be1, W2, b2, g2, be2):
    rowf = edge_index[0]
    colf = edge_index[1]
    em_r = rowf[:_NCH * _CHUNK].reshape(_NCH, _CHUNK)
    cc = colf[:_NCH * _CHUNK].reshape(_NCH, _CHUNK) * 2
    em_c = jnp.stack([cc, cc + 1])
    lm_r = rowf[_NCH * _CHUNK:].reshape(4, _CHUNK)
    lcc = colf[_NCH * _CHUNK:].reshape(4, _CHUNK) * 2
    lm_c = jnp.stack([lcc, lcc + 1])
    xv = x.reshape(2 * _N, _DH)
    z = jnp.zeros((_N, _DH), jnp.float32)
    p = _sc_agg(xv, z, em_r, em_c, lm_r, lm_c)
    eps11 = jnp.reshape(eps + 1.0, (1, 1)).astype(jnp.float32)
    return _tc_finish(
        x, p, eps11,
        W1, b1.reshape(1, _D), g1.reshape(1, _D), be1.reshape(1, _D),
        W2, b2.reshape(1, _D), g2.reshape(1, _D), be2.reshape(1, _D))

# --- scband reference (transcript-rebuilt; emitter-appended) ---
"""Pipeline reference for scband-ginlayer-20942260536132 (READ-ONLY COPY).

The authoritative reference and input builder live on the scoring server;
editing this copy changes nothing except your own understanding.
"""

import jax, jax.numpy as jnp
import numpy as np

N, D, E = 10000, 128, 320000
BN_EPS = 1e-5


def setup_inputs(seed: int = 0) -> dict:
    key = jax.random.key(seed)
    ks = jax.random.split(key, 8)
    x = jax.random.normal(ks[0], (N, D), dtype=jnp.float32)
    edge_index = jax.random.randint(ks[1], (2, E), 0, N, dtype=jnp.int32)
    s1 = 1.0 / np.sqrt(D)
    W1 = jax.random.uniform(ks[2], (D, D), dtype=jnp.float32, minval=-s1, maxval=s1)
    b1 = jax.random.uniform(ks[3], (D,), dtype=jnp.float32, minval=-s1, maxval=s1)
    W2 = jax.random.uniform(ks[4], (D, D), dtype=jnp.float32, minval=-s1, maxval=s1)
    b2 = jax.random.uniform(ks[5], (D,), dtype=jnp.float32, minval=-s1, maxval=s1)
    g1 = jnp.ones((D,), dtype=jnp.float32)
    be1 = jnp.zeros((D,), dtype=jnp.float32)
    g2 = jnp.ones((D,), dtype=jnp.float32)
    be2 = jnp.zeros((D,), dtype=jnp.float32)
    eps = jnp.zeros((), dtype=jnp.float32)
    return {"x": x, "edge_index": edge_index, "eps": eps, "W1": W1, "b1": b1, "g1": g1, "be1": be1, "W2": W2, "b2": b2, "g2": g2, "be2": be2}


def _batchnorm(h, gamma, beta):
    mean = jnp.mean(h, axis=0)
    var = jnp.var(h, axis=0)
    return (h - mean) / jnp.sqrt(var + BN_EPS) * gamma + beta


def reference(x, edge_index, eps, W1, b1, g1, be1, W2, b2, g2, be2):
    row = edge_index[0]
    col = edge_index[1]
    agg = jnp.zeros_like(x).at[row].add(x[col])
    h = (1.0 + eps) * x + agg
    h = h @ W1 + b1
    h = _batchnorm(h, g1, be1)
    h = jax.nn.relu(h)
    h = h @ W2 + b2
    h = _batchnorm(h, g2, be2)
    h = jax.nn.relu(h)
    return h

if __name__ == "__main__":
    import jax
    _d = setup_inputs()
    print(jax.jit(kernel)(*tuple(_d.values())))

</pallas_src>

<mosaic_0001>
#map = affine_map<(d0, d1) -> (0, 0)>
#map1 = affine_map<(d0, d1) -> (0, 0, 0)>
module attributes {stable_mosaic.version = 14 : i64} {
  func.func @k(%arg0: i32, %arg1: i32, %arg2: memref<20000x64xf32, #tpu.memory_space<hbm>>, %arg3: memref<10000x64xf32, #tpu.memory_space<hbm>>, %arg4: memref<2496x128xi32, #tpu.memory_space<hbm>>, %arg5: memref<2x2496x128xi32, #tpu.memory_space<hbm>>, %arg6: memref<4x128xi32, #tpu.memory_space<hbm>>, %arg7: memref<2x4x128xi32, #tpu.memory_space<hbm>>, %arg8: memref<10000x128xf32, #tpu.memory_space<hbm>>, %arg9: memref<156x128xi32, #tpu.memory_space<vmem>>, %arg10: memref<156x128xi32, #tpu.memory_space<vmem>>, %arg11: memref<1x128xi32, #tpu.memory_space<vmem>>, %arg12: memref<1x128xi32, #tpu.memory_space<vmem>>, %arg13: memref<128x64xf32, #tpu.memory_space<vmem>>, %arg14: memref<128x64xf32, #tpu.memory_space<vmem>>, %arg15: memref<128x64xf32, #tpu.memory_space<vmem>>, %arg16: memref<128x64xf32, #tpu.memory_space<vmem>>, %arg17: memref<10000x64xf32, #tpu.memory_space<vmem_shared>>, %arg18: memref<!tpu.dma_semaphore, #tpu.memory_space<semaphore_mem>>, %arg19: memref<!tpu.dma_semaphore, #tpu.memory_space<semaphore_mem>>, %arg20: memref<!tpu.dma_semaphore, #tpu.memory_space<semaphore_mem>>, %arg21: memref<!tpu.dma_semaphore, #tpu.memory_space<semaphore_mem>>, %arg22: memref<!tpu.dma_semaphore, #tpu.memory_space<semaphore_mem>>, %arg23: memref<!tpu.dma_semaphore, #tpu.memory_space<semaphore_mem>>, %arg24: memref<!tpu.dma_semaphore, #tpu.memory_space<semaphore_mem>>, %arg25: memref<!tpu.dma_semaphore, #tpu.memory_space<semaphore_mem>>) attributes {dimension_semantics = [#tpu.dimension_semantics<core_parallel>, #tpu.dimension_semantics<subcore_parallel>], iteration_bounds = array<i64: 2, 16>, scalar_prefetch = 0 : i64, scratch_operands = 17 : i64, tpu.core_type = #tpu.core_type<sc_vector_subcore>, window_params = [{transform_indices = #map}, {transform_indices = #map}, {transform_indices = #map}, {transform_indices = #map1}, {transform_indices = #map}, {transform_indices = #map1}, {transform_indices = #map}]} {
    %mul3A = arith.constant 156 : i32
    %mul3A_0 = arith.muli %arg1, %mul3A : i32
    "tpu.region"() ({
      %run_scoped3A = tpu.sem_alloc : memref<!tpu.dma_semaphore, #tpu.memory_space<semaphore_mem>>
      %dma_start3A_138 = arith.constant 0 : i32
      %dma_start3A_139 = tpu.memref_slice %arg4[%mul3A_0, %dma_start3A_138] : memref<2496x128xi32, #tpu.memory_space<hbm>> -> memref<156x128xi32, #tpu.memory_space<hbm>>
      %dma_start3A_140 = arith.constant 0 : i32
      %dma_start3A_141 = tpu.memref_slice %arg4[%mul3A_0, %dma_start3A_140] : memref<2496x128xi32, #tpu.memory_space<hbm>> -> memref<156x128xi32, #tpu.memory_space<hbm>>
      tpu.enqueue_dma source(%dma_start3A_141 : memref<156x128xi32, #tpu.memory_space<hbm>>) target(%arg9 : memref<156x128xi32, #tpu.memory_space<vmem>>) target_semaphore(%run_scoped3A : memref<!tpu.dma_semaphore, #tpu.memory_space<semaphore_mem>>)
      %dma_wait3A_142 = arith.constant 0 : i32
      %dma_wait3A_143 = tpu.memref_slice %arg4[%mul3A_0, %dma_wait3A_142] : memref<2496x128xi32, #tpu.memory_space<hbm>> -> memref<156x128xi32, #tpu.memory_space<hbm>>
      %dma_wait3A_144 = arith.constant 0 : i32
      %dma_wait3A_145 = tpu.memref_slice %arg4[%mul3A_0, %dma_wait3A_144] : memref<2496x128xi32, #tpu.memory_space<hbm>> -> memref<156x128xi32, #tpu.memory_space<hbm>>
      tpu.wait_dma2 semaphore(%run_scoped3A : memref<!tpu.dma_semaphore, #tpu.memory_space<semaphore_mem>>) src(%dma_wait3A_145 : memref<156x128xi32, #tpu.memory_space<hbm>>) dst(%arg9 : memref<156x128xi32, #tpu.memory_space<vmem>>)
      tpu.yield
    }) : () -> ()
    %mul3A_1 = arith.constant 156 : i32
    %mul3A_2 = arith.muli %arg1, %mul3A_1 : i32
    "tpu.region"() ({
      %run_scoped3A = tpu.sem_alloc : memref<!tpu.dma_semaphore, #tpu.memory_space<semaphore_mem>>
      %dma_start3A_138 = arith.constant 0 : i32
      %dma_start3A_139 = arith.constant 0 : i32
      %dma_start3A_140 = tpu.memref_slice %arg5[%arg0, %dma_start3A_138, %dma_start3A_139] : memref<2x2496x128xi32, #tpu.memory_space<hbm>> -> memref<1x2496x128xi32, #tpu.memory_space<hbm>>
      %dma_start3A_141 = tpu.memref_squeeze %dma_start3A_140 : memref<1x2496x128xi32, #tpu.memory_space<hbm>> -> memref<2496x128xi32, #tpu.memory_space<hbm>>
      %dma_start3A_142 = arith.constant 0 : i32
      %dma_start3A_143 = tpu.memref_slice %dma_start3A_141[%mul3A_2, %dma_start3A_142] : memref<2496x128xi32, #tpu.memory_space<hbm>> -> memref<156x128xi32, #tpu.memory_space<hbm>>
      %dma_start3A_144 = arith.constant 0 : i32
      %dma_start3A_145 = arith.constant 0 : i32
      %dma_start3A_146 = tpu.memref_slice %arg5[%arg0, %dma_start3A_144, %dma_start3A_145] : memref<2x2496x128xi32, #tpu.memory_space<hbm>> -> memref<1x2496x128xi32, #tpu.memory_space<hbm>>
      %dma_start3A_147 = tpu.memref_squeeze %dma_start3A_146 : memref<1x2496x128xi32, #tpu.memory_space<hbm>> -> memref<2496x128xi32, #tpu.memory_space<hbm>>
      %dma_start3A_148 = arith.constant 0 : i32
      %dma_start3A_149 = tpu.memref_slice %dma_start3A_147[%mul3A_2, %dma_start3A_148] : memref<2496x128xi32, #tpu.memory_space<hbm>> -> memref<156x128xi32, #tpu.memory_space<hbm>>
      tpu.enqueue_dma source(%dma_start3A_149 : memref<156x128xi32, #tpu.memory_space<hbm>>) target(%arg10 : memref<156x128xi32, #tpu.memory_space<vmem>>) target_semaphore(%run_scoped3A : memref<!tpu.dma_semaphore, #tpu.memory_space<semaphore_mem>>)
      %dma_wait3A_150 = arith.constant 0 : i32
      %dma_wait3A_151 = arith.constant 0 : i32
      %dma_wait3A_152 = tpu.memref_slice %arg5[%arg0, %dma_wait3A_150, %dma_wait3A_151] : memref<2x2496x128xi32, #tpu.memory_space<hbm>> -> memref<1x2496x128xi32, #tpu.memory_space<hbm>>
      %dma_wait3A_153 = tpu.memref_squeeze %dma_wait3A_152 : memref<1x2496x128xi32, #tpu.memory_space<hbm>> -> memref<2496x128xi32, #tpu.memory_space<hbm>>
      %dma_wait3A_154 = arith.constant 0 : i32
      %dma_wait3A_155 = tpu.memref_slice %dma_wait3A_153[%mul3A_2, %dma_wait3A_154] : memref<2496x128xi32, #tpu.memory_space<hbm>> -> memref<156x128xi32, #tpu.memory_space<hbm>>
      %dma_wait3A_156 = arith.constant 0 : i32
      %dma_wait3A_157 = arith.constant 0 : i32
      %dma_wait3A_158 = tpu.memref_slice %arg5[%arg0, %dma_wait3A_156, %dma_wait3A_157] : memref<2x2496x128xi32, #tpu.memory_space<hbm>> -> memref<1x2496x128xi32, #tpu.memory_space<hbm>>
      %dma_wait3A_159 = tpu.memref_squeeze %dma_wait3A_158 : memref<1x2496x128xi32, #tpu.memory_space<hbm>> -> memref<2496x128xi32, #tpu.memory_space<hbm>>
      %dma_wait3A_160 = arith.constant 0 : i32
      %dma_wait3A_161 = tpu.memref_slice %dma_wait3A_159[%mul3A_2, %dma_wait3A_160] : memref<2496x128xi32, #tpu.memory_space<hbm>> -> memref<156x128xi32, #tpu.memory_space<hbm>>
      tpu.wait_dma2 semaphore(%run_scoped3A : memref<!tpu.dma_semaphore, #tpu.memory_space<semaphore_mem>>) src(%dma_wait3A_161 : memref<156x128xi32, #tpu.memory_space<hbm>>) dst(%arg10 : memref<156x128xi32, #tpu.memory_space<vmem>>)
      tpu.yield
    }) : () -> ()
    %lt3A = arith.constant 4 : i32
    %lt3A_3 = arith.cmpi slt, %arg1, %lt3A : i32
    %convert_element_type3A = arith.extui %lt3A_3 : i1 to i32
    %cond3A = arith.constant 0 : i32
    %cond3A_4 = arith.cmpi ne, %convert_element_type3A, %cond3A : i32
    scf.if %cond3A_4 {
      "tpu.region"() ({
        %run_scoped3A = tpu.sem_alloc : memref<!tpu.dma_semaphore, #tpu.memory_space<semaphore_mem>>
        %dma_start3A_138 = arith.constant 0 : i32
        %dma_start3A_139 = tpu.memref_slice %arg6[%arg1, %dma_start3A_138] : memref<4x128xi32, #tpu.memory_space<hbm>> -> memref<1x128xi32, #tpu.memory_space<hbm>>
        %dma_start3A_140 = arith.constant 0 : i32
        %dma_start3A_141 = tpu.memref_slice %arg6[%arg1, %dma_start3A_140] : memref<4x128xi32, #tpu.memory_space<hbm>> -> memref<1x128xi32, #tpu.memory_space<hbm>>
        tpu.enqueue_dma source(%dma_start3A_141 : memref<1x128xi32, #tpu.memory_space<hbm>>) target(%arg11 : memref<1x128xi32, #tpu.memory_space<vmem>>) target_semaphore(%run_scoped3A : memref<!tpu.dma_semaphore, #tpu.memory_space<semaphore_mem>>)
        %dma_wait3A_142 = arith.constant 0 : i32
        %dma_wait3A_143 = tpu.memref_slice %arg6[%arg1, %dma_wait3A_142] : memref<4x128xi32, #tpu.memory_space<hbm>> -> memref<1x128xi32, #tpu.memory_space<hbm>>
        %dma_wait3A_144 = arith.constant 0 : i32
        %dma_wait3A_145 = tpu.memref_slice %arg6[%arg1, %dma_wait3A_144] : memref<4x128xi32, #tpu.memory_space<hbm>> -> memref<1x128xi32, #tpu.memory_space<hbm>>
        tpu.wait_dma2 semaphore(%run_scoped3A : memref<!tpu.dma_semaphore, #tpu.memory_space<semaphore_mem>>) src(%dma_wait3A_145 : memref<1x128xi32, #tpu.memory_space<hbm>>) dst(%arg11 : memref<1x128xi32, #tpu.memory_space<vmem>>)
        tpu.yield
      }) : () -> ()
      "tpu.region"() ({
        %run_scoped3A = tpu.sem_alloc : memref<!tpu.dma_semaphore, #tpu.memory_space<semaphore_mem>>
        %dma_start3A_138 = arith.constant 0 : i32
        %dma_start3A_139 = arith.constant 0 : i32
        %dma_start3A_140 = tpu.memref_slice %arg7[%arg0, %dma_start3A_138, %dma_start3A_139] : memref<2x4x128xi32, #tpu.memory_space<hbm>> -> memref<1x4x128xi32, #tpu.memory_space<hbm>>
        %dma_start3A_141 = tpu.memref_squeeze %dma_start3A_140 : memref<1x4x128xi32, #tpu.memory_space<hbm>> -> memref<4x128xi32, #tpu.memory_space<hbm>>
        %dma_start3A_142 = arith.constant 0 : i32
        %dma_start3A_143 = tpu.memref_slice %dma_start3A_141[%arg1, %dma_start3A_142] : memref<4x128xi32, #tpu.memory_space<hbm>> -> memref<1x128xi32, #tpu.memory_space<hbm>>
        %dma_start3A_144 = arith.constant 0 : i32
        %dma_start3A_145 = arith.constant 0 : i32
        %dma_start3A_146 = tpu.memref_slice %arg7[%arg0, %dma_start3A_144, %dma_start3A_145] : memref<2x4x128xi32, #tpu.memory_space<hbm>> -> memref<1x4x128xi32, #tpu.memory_space<hbm>>
        %dma_start3A_147 = tpu.memref_squeeze %dma_start3A_146 : memref<1x4x128xi32, #tpu.memory_space<hbm>> -> memref<4x128xi32, #tpu.memory_space<hbm>>
        %dma_start3A_148 = arith.constant 0 : i32
        %dma_start3A_149 = tpu.memref_slice %dma_start3A_147[%arg1, %dma_start3A_148] : memref<4x128xi32, #tpu.memory_space<hbm>> -> memref<1x128xi32, #tpu.memory_space<hbm>>
        tpu.enqueue_dma source(%dma_start3A_149 : memref<1x128xi32, #tpu.memory_space<hbm>>) target(%arg12 : memref<1x128xi32, #tpu.memory_space<vmem>>) target_semaphore(%run_scoped3A : memref<!tpu.dma_semaphore, #tpu.memory_space<semaphore_mem>>)
        %dma_wait3A_150 = arith.constant 0 : i32
        %dma_wait3A_151 = arith.constant 0 : i32
        %dma_wait3A_152 = tpu.memref_slice %arg7[%arg0, %dma_wait3A_150, %dma_wait3A_151] : memref<2x4x128xi32, #tpu.memory_space<hbm>> -> memref<1x4x128xi32, #tpu.memory_space<hbm>>
        %dma_wait3A_153 = tpu.memref_squeeze %dma_wait3A_152 : memref<1x4x128xi32, #tpu.memory_space<hbm>> -> memref<4x128xi32, #tpu.memory_space<hbm>>
        %dma_wait3A_154 = arith.constant 0 : i32
        %dma_wait3A_155 = tpu.memref_slice %dma_wait3A_153[%arg1, %dma_wait3A_154] : memref<4x128xi32, #tpu.memory_space<hbm>> -> memref<1x128xi32, #tpu.memory_space<hbm>>
        %dma_wait3A_156 = arith.constant 0 : i32
        %dma_wait3A_157 = arith.constant 0 : i32
        %dma_wait3A_158 = tpu.memref_slice %arg7[%arg0, %dma_wait3A_156, %dma_wait3A_157] : memref<2x4x128xi32, #tpu.memory_space<hbm>> -> memref<1x4x128xi32, #tpu.memory_space<hbm>>
        %dma_wait3A_159 = tpu.memref_squeeze %dma_wait3A_158 : memref<1x4x128xi32, #tpu.memory_space<hbm>> -> memref<4x128xi32, #tpu.memory_space<hbm>>
        %dma_wait3A_160 = arith.constant 0 : i32
        %dma_wait3A_161 = tpu.memref_slice %dma_wait3A_159[%arg1, %dma_wait3A_160] : memref<4x128xi32, #tpu.memory_space<hbm>> -> memref<1x128xi32, #tpu.memory_space<hbm>>
        tpu.wait_dma2 semaphore(%run_scoped3A : memref<!tpu.dma_semaphore, #tpu.memory_space<semaphore_mem>>) src(%dma_wait3A_161 : memref<1x128xi32, #tpu.memory_space<hbm>>) dst(%arg12 : memref<1x128xi32, #tpu.memory_space<vmem>>)
        tpu.yield
      }) : () -> ()
    } else {
    }
    %mul3A_5 = arith.constant 624 : i32
    %mul3A_6 = arith.muli %arg1, %mul3A_5 : i32
    %mul3A_7 = arith.constant 624 : i32
    %mul3A_8 = arith.muli %arg1, %mul3A_7 : i32
    "tpu.region"() ({
      %run_scoped3A = tpu.sem_alloc : memref<!tpu.dma_semaphore, #tpu.memory_space<semaphore_mem>>
      %dma_start3A_138 = arith.constant 0 : i32
      %dma_start3A_139 = tpu.memref_slice %arg17[%mul3A_8, %dma_start3A_138] : memref<10000x64xf32, #tpu.memory_space<vmem_shared>> -> memref<624x64xf32, #tpu.memory_space<vmem_shared>>
      %dma_start3A_140 = arith.constant 0 : i32
      %dma_start3A_141 = tpu.memref_slice %arg3[%mul3A_6, %dma_start3A_140] : memref<10000x64xf32, #tpu.memory_space<hbm>> -> memref<624x64xf32, #tpu.memory_space<hbm>>
      tpu.enqueue_dma source(%dma_start3A_141 : memref<624x64xf32, #tpu.memory_space<hbm>>) target(%dma_start3A_139 : memref<624x64xf32, #tpu.memory_space<vmem_shared>>) target_semaphore(%run_scoped3A : memref<!tpu.dma_semaphore, #tpu.memory_space<semaphore_mem>>)
      %dma_wait3A_142 = arith.constant 0 : i32
      %dma_wait3A_143 = tpu.memref_slice %arg17[%mul3A_8, %dma_wait3A_142] : memref<10000x64xf32, #tpu.memory_space<vmem_shared>> -> memref<624x64xf32, #tpu.memory_space<vmem_shared>>
      %dma_wait3A_144 = arith.constant 0 : i32
      %dma_wait3A_145 = tpu.memref_slice %arg3[%mul3A_6, %dma_wait3A_144] : memref<10000x64xf32, #tpu.memory_space<hbm>> -> memref<624x64xf32, #tpu.memory_space<hbm>>
      tpu.wait_dma2 semaphore(%run_scoped3A : memref<!tpu.dma_semaphore, #tpu.memory_space<semaphore_mem>>) src(%dma_wait3A_145 : memref<624x64xf32, #tpu.memory_space<hbm>>) dst(%dma_wait3A_143 : memref<624x64xf32, #tpu.memory_space<vmem_shared>>)
      tpu.yield
    }) : () -> ()
    %lt3A_9 = arith.constant 2 : i32
    %lt3A_10 = arith.cmpi slt, %arg1, %lt3A_9 : i32
    %convert_element_type3A_11 = arith.extui %lt3A_10 : i1 to i32
    %cond3A_12 = arith.constant 0 : i32
    %cond3A_13 = arith.cmpi ne, %convert_element_type3A_11, %cond3A_12 : i32
    scf.if %cond3A_13 {
      %mul3A_138 = arith.constant 8 : i32
      %mul3A_139 = arith.muli %arg1, %mul3A_138 : i32
      %add3A = arith.constant 9984 : i32
      %add3A_140 = arith.addi %add3A, %mul3A_139 : i32
      "tpu.region"() ({
        %run_scoped3A = tpu.sem_alloc : memref<!tpu.dma_semaphore, #tpu.memory_space<semaphore_mem>>
        %dma_start3A_141 = arith.constant 0 : i32
        %dma_start3A_142 = tpu.memref_slice %arg17[%add3A_140, %dma_start3A_141] : memref<10000x64xf32, #tpu.memory_space<vmem_shared>> -> memref<8x64xf32, #tpu.memory_space<vmem_shared>>
        %dma_start3A_143 = arith.constant 0 : i32
        %dma_start3A_144 = tpu.memref_slice %arg3[%add3A_140, %dma_start3A_143] : memref<10000x64xf32, #tpu.memory_space<hbm>> -> memref<8x64xf32, #tpu.memory_space<hbm>>
        tpu.enqueue_dma source(%dma_start3A_144 : memref<8x64xf32, #tpu.memory_space<hbm>>) target(%dma_start3A_142 : memref<8x64xf32, #tpu.memory_space<vmem_shared>>) target_semaphore(%run_scoped3A : memref<!tpu.dma_semaphore, #tpu.memory_space<semaphore_mem>>)
        %dma_wait3A_145 = arith.constant 0 : i32
        %dma_wait3A_146 = tpu.memref_slice %arg17[%add3A_140, %dma_wait3A_145] : memref<10000x64xf32, #tpu.memory_space<vmem_shared>> -> memref<8x64xf32, #tpu.memory_space<vmem_shared>>
        %dma_wait3A_147 = arith.constant 0 : i32
        %dma_wait3A_148 = tpu.memref_slice %arg3[%add3A_140, %dma_wait3A_147] : memref<10000x64xf32, #tpu.memory_space<hbm>> -> memref<8x64xf32, #tpu.memory_space<hbm>>
        tpu.wait_dma2 semaphore(%run_scoped3A : memref<!tpu.dma_semaphore, #tpu.memory_space<semaphore_mem>>) src(%dma_wait3A_148 : memref<8x64xf32, #tpu.memory_space<hbm>>) dst(%dma_wait3A_146 : memref<8x64xf32, #tpu.memory_space<vmem_shared>>)
        tpu.yield
      }) : () -> ()
    } else {
    }
    %barrier3A = arith.constant 0 : index
    tpu.barrier barrier_id(%barrier3A)
    %dma_start3A = arith.constant 0 : i32
    %dma_start3A_14 = arith.constant 0 : i32
    %dma_start3A_15 = tpu.memref_slice %arg10[%dma_start3A, %dma_start3A_14] : memref<156x128xi32, #tpu.memory_space<vmem>> -> memref<1x128xi32, #tpu.memory_space<vmem>>
    %dma_start3A_16 = tpu.memref_squeeze %dma_start3A_15 : memref<1x128xi32, #tpu.memory_space<vmem>> -> memref<128xi32, #tpu.memory_space<vmem>>
    %dma_start3A_17 = arith.constant 0 : i32
    %dma_start3A_18 = arith.constant 0 : i32
    %dma_start3A_19 = tpu.memref_slice %arg2[%dma_start3A_17, %dma_start3A_18] : memref<20000x64xf32, #tpu.memory_space<hbm>> -> memref<20000x64xf32, #tpu.memory_space<hbm>>
    tpu.enqueue_indirect_dma source(%dma_start3A_19 : memref<20000x64xf32, #tpu.memory_space<hbm>>) target(%arg13 : memref<128x64xf32, #tpu.memory_space<vmem>>) offsets(%dma_start3A_16 : memref<128xi32, #tpu.memory_space<vmem>>) semaphore(%arg18 : memref<!tpu.dma_semaphore, #tpu.memory_space<semaphore_mem>>)
    %dma_start3A_20 = arith.constant 1 : i32
    %dma_start3A_21 = arith.constant 0 : i32
    %dma_start3A_22 = tpu.memref_slice %arg10[%dma_start3A_20, %dma_start3A_21] : memref<156x128xi32, #tpu.memory_space<vmem>> -> memref<1x128xi32, #tpu.memory_space<vmem>>
    %dma_start3A_23 = tpu.memref_squeeze %dma_start3A_22 : memref<1x128xi32, #tpu.memory_space<vmem>> -> memref<128xi32, #tpu.memory_space<vmem>>
    %dma_start3A_24 = arith.constant 0 : i32
    %dma_start3A_25 = arith.constant 0 : i32
    %dma_start3A_26 = tpu.memref_slice %arg2[%dma_start3A_24, %dma_start3A_25] : memref<20000x64xf32, #tpu.memory_space<hbm>> -> memref<20000x64xf32, #tpu.memory_space<hbm>>
    tpu.enqueue_indirect_dma source(%dma_start3A_26 : memref<20000x64xf32, #tpu.memory_space<hbm>>) target(%arg14 : memref<128x64xf32, #tpu.memory_space<vmem>>) offsets(%dma_start3A_23 : memref<128xi32, #tpu.memory_space<vmem>>) semaphore(%arg19 : memref<!tpu.dma_semaphore, #tpu.memory_space<semaphore_mem>>)
    %dma_wait3A = arith.constant 0 : i32
    %dma_wait3A_27 = arith.constant 0 : i32
    %dma_wait3A_28 = tpu.memref_slice %arg2[%dma_wait3A, %dma_wait3A_27] : memref<20000x64xf32, #tpu.memory_space<hbm>> -> memref<128x64xf32, #tpu.memory_space<hbm>>
    %dma_wait3A_29 = arith.constant 0 : i32
    %dma_wait3A_30 = arith.constant 0 : i32
    %dma_wait3A_31 = tpu.memref_slice %arg2[%dma_wait3A_29, %dma_wait3A_30] : memref<20000x64xf32, #tpu.memory_space<hbm>> -> memref<128x64xf32, #tpu.memory_space<hbm>>
    tpu.wait_dma2 semaphore(%arg18 : memref<!tpu.dma_semaphore, #tpu.memory_space<semaphore_mem>>) src(%dma_wait3A_31 : memref<128x64xf32, #tpu.memory_space<hbm>>) dst(%arg13 : memref<128x64xf32, #tpu.memory_space<vmem>>)
    %dma_start3A_32 = arith.constant 0 : i32
    %dma_start3A_33 = arith.constant 0 : i32
    %dma_start3A_34 = tpu.memref_slice %arg9[%dma_start3A_32, %dma_start3A_33] : memref<156x128xi32, #tpu.memory_space<vmem>> -> memref<1x128xi32, #tpu.memory_space<vmem>>
    %dma_start3A_35 = tpu.memref_squeeze %dma_start3A_34 : memref<1x128xi32, #tpu.memory_space<vmem>> -> memref<128xi32, #tpu.memory_space<vmem>>
    %dma_start3A_36 = arith.constant 0 : i32
    %dma_start3A_37 = arith.constant 0 : i32
    %dma_start3A_38 = tpu.memref_slice %arg17[%dma_start3A_36, %dma_start3A_37] : memref<10000x64xf32, #tpu.memory_space<vmem_shared>> -> memref<10000x64xf32, #tpu.memory_space<vmem_shared>>
    tpu.enqueue_indirect_dma source(%arg13 : memref<128x64xf32, #tpu.memory_space<vmem>>) target(%dma_start3A_38 : memref<10000x64xf32, #tpu.memory_space<vmem_shared>>) offsets(%dma_start3A_35 : memref<128xi32, #tpu.memory_space<vmem>>) semaphore(%arg22 : memref<!tpu.dma_semaphore, #tpu.memory_space<semaphore_mem>>) {add = true}
    %dma_start3A_39 = arith.constant 2 : i32
    %dma_start3A_40 = arith.constant 0 : i32
    %dma_start3A_41 = tpu.memref_slice %arg10[%dma_start3A_39, %dma_start3A_40] : memref<156x128xi32, #tpu.memory_space<vmem>> -> memref<1x128xi32, #tpu.memory_space<vmem>>
    %dma_start3A_42 = tpu.memref_squeeze %dma_start3A_41 : memref<1x128xi32, #tpu.memory_space<vmem>> -> memref<128xi32, #tpu.memory_space<vmem>>
    %dma_start3A_43 = arith.constant 0 : i32
    %dma_start3A_44 = arith.constant 0 : i32
    %dma_start3A_45 = tpu.memref_slice %arg2[%dma_start3A_43, %dma_start3A_44] : memref<20000x64xf32, #tpu.memory_space<hbm>> -> memref<20000x64xf32, #tpu.memory_space<hbm>>
    tpu.enqueue_indirect_dma source(%dma_start3A_45 : memref<20000x64xf32, #tpu.memory_space<hbm>>) target(%arg15 : memref<128x64xf32, #tpu.memory_space<vmem>>) offsets(%dma_start3A_42 : memref<128xi32, #tpu.memory_space<vmem>>) semaphore(%arg20 : memref<!tpu.dma_semaphore, #tpu.memory_space<semaphore_mem>>)
    %dma_wait3A_46 = arith.constant 0 : i32
    %dma_wait3A_47 = arith.constant 0 : i32
    %dma_wait3A_48 = tpu.memref_slice %arg2[%dma_wait3A_46, %dma_wait3A_47] : memref<20000x64xf32, #tpu.memory_space<hbm>> -> memref<128x64xf32, #tpu.memory_space<hbm>>
    %dma_wait3A_49 = arith.constant 0 : i32
    %dma_wait3A_50 = arith.constant 0 : i32
    %dma_wait3A_51 = tpu.memref_slice %arg2[%dma_wait3A_49, %dma_wait3A_50] : memref<20000x64xf32, #tpu.memory_space<hbm>> -> memref<128x64xf32, #tpu.memory_space<hbm>>
    tpu.wait_dma2 semaphore(%arg19 : memref<!tpu.dma_semaphore, #tpu.memory_space<semaphore_mem>>) src(%dma_wait3A_51 : memref<128x64xf32, #tpu.memory_space<hbm>>) dst(%arg14 : memref<128x64xf32, #tpu.memory_space<vmem>>)
    %dma_start3A_52 = arith.constant 1 : i32
    %dma_start3A_53 = arith.constant 0 : i32
    %dma_start3A_54 = tpu.memref_slice %arg9[%dma_start3A_52, %dma_start3A_53] : memref<156x128xi32, #tpu.memory_space<vmem>> -> memref<1x128xi32, #tpu.memory_space<vmem>>
    %dma_start3A_55 = tpu.memref_squeeze %dma_start3A_54 : memref<1x128xi32, #tpu.memory_space<vmem>> -> memref<128xi32, #tpu.memory_space<vmem>>
    %dma_start3A_56 = arith.constant 0 : i32
    %dma_start3A_57 = arith.constant 0 : i32
    %dma_start3A_58 = tpu.memref_slice %arg17[%dma_start3A_56, %dma_start3A_57] : memref<10000x64xf32, #tpu.memory_space<vmem_shared>> -> memref<10000x64xf32, #tpu.memory_space<vmem_shared>>
    tpu.enqueue_indirect_dma source(%arg14 : memref<128x64xf32, #tpu.memory_space<vmem>>) target(%dma_start3A_58 : memref<10000x64xf32, #tpu.memory_space<vmem_shared>>) offsets(%dma_start3A_55 : memref<128xi32, #tpu.memory_space<vmem>>) semaphore(%arg23 : memref<!tpu.dma_semaphore, #tpu.memory_space<semaphore_mem>>) {add = true}
    %dma_start3A_59 = arith.constant 3 : i32
    %dma_start3A_60 = arith.constant 0 : i32
    %dma_start3A_61 = tpu.memref_slice %arg10[%dma_start3A_59, %dma_start3A_60] : memref<156x128xi32, #tpu.memory_space<vmem>> -> memref<1x128xi32, #tpu.memory_space<vmem>>
    %dma_start3A_62 = tpu.memref_squeeze %dma_start3A_61 : memref<1x128xi32, #tpu.memory_space<vmem>> -> memref<128xi32, #tpu.memory_space<vmem>>
    %dma_start3A_63 = arith.constant 0 : i32
    %dma_start3A_64 = arith.constant 0 : i32
    %dma_start3A_65 = tpu.memref_slice %arg2[%dma_start3A_63, %dma_start3A_64] : memref<20000x64xf32, #tpu.memory_space<hbm>> -> memref<20000x64xf32, #tpu.memory_space<hbm>>
    tpu.enqueue_indirect_dma source(%dma_start3A_65 : memref<20000x64xf32, #tpu.memory_space<hbm>>) target(%arg16 : memref<128x64xf32, #tpu.memory_space<vmem>>) offsets(%dma_start3A_62 : memref<128xi32, #tpu.memory_space<vmem>>) semaphore(%arg21 : memref<!tpu.dma_semaphore, #tpu.memory_space<semaphore_mem>>)
    %scan3A = arith.constant 0 : i32
    %scan3A_66 = arith.constant 0 : i32
    %scan3A_67 = arith.constant 38 : i32
    %scan3A_68 = arith.addi %scan3A_66, %scan3A_67 : i32
    %scan3A_69 = arith.constant 1 : i32
    scf.for %scan3A_138 = %scan3A_66 to %scan3A_68 step %scan3A_69  : i32 {
      %mul3A_139 = arith.constant 4 : i32
      %mul3A_140 = arith.muli %scan3A_138, %mul3A_139 : i32
      %add3A = arith.constant 4 : i32
      %add3A_141 = arith.addi %add3A, %mul3A_140 : i32
      %add3A_142 = arith.constant 0 : i32
      %add3A_143 = arith.addi %add3A_141, %add3A_142 : i32
      %dma_wait3A_144 = arith.constant 0 : i32
      %dma_wait3A_145 = arith.constant 0 : i32
      %dma_wait3A_146 = tpu.memref_slice %arg17[%dma_wait3A_144, %dma_wait3A_145] : memref<10000x64xf32, #tpu.memory_space<vmem_shared>> -> memref<128x64xf32, #tpu.memory_space<vmem_shared>>
      %dma_wait3A_147 = arith.constant 0 : i32
      %dma_wait3A_148 = arith.constant 0 : i32
      %dma_wait3A_149 = tpu.memref_slice %arg17[%dma_wait3A_147, %dma_wait3A_148] : memref<10000x64xf32, #tpu.memory_space<vmem_shared>> -> memref<128x64xf32, #tpu.memory_space<vmem_shared>>
      tpu.wait_dma2 semaphore(%arg22 : memref<!tpu.dma_semaphore, #tpu.memory_space<semaphore_mem>>) src(%arg13 : memref<128x64xf32, #tpu.memory_space<vmem>>) dst(%dma_wait3A_149 : memref<128x64xf32, #tpu.memory_space<vmem_shared>>)
      %dma_wait3A_150 = arith.constant 0 : i32
      %dma_wait3A_151 = arith.constant 0 : i32
      %dma_wait3A_152 = tpu.memref_slice %arg2[%dma_wait3A_150, %dma_wait3A_151] : memref<20000x64xf32, #tpu.memory_space<hbm>> -> memref<128x64xf32, #tpu.memory_space<hbm>>
      %dma_wait3A_153 = arith.constant 0 : i32
      %dma_wait3A_154 = arith.constant 0 : i32
      %dma_wait3A_155 = tpu.memref_slice %arg2[%dma_wait3A_153, %dma_wait3A_154] : memref<20000x64xf32, #tpu.memory_space<hbm>> -> memref<128x64xf32, #tpu.memory_space<hbm>>
      tpu.wait_dma2 semaphore(%arg20 : memref<!tpu.dma_semaphore, #tpu.memory_space<semaphore_mem>>) src(%dma_wait3A_155 : memref<128x64xf32, #tpu.memory_space<hbm>>) dst(%arg15 : memref<128x64xf32, #tpu.memory_space<vmem>>)
      %sub3A = arith.constant 2 : i32
      %sub3A_156 = arith.subi %add3A_143, %sub3A : i32
      %dma_start3A_157 = arith.constant 0 : i32
      %dma_start3A_158 = tpu.memref_slice %arg9[%sub3A_156, %dma_start3A_157] : memref<156x128xi32, #tpu.memory_space<vmem>> -> memref<1x128xi32, #tpu.memory_space<vmem>>
      %dma_start3A_159 = tpu.memref_squeeze %dma_start3A_158 : memref<1x128xi32, #tpu.memory_space<vmem>> -> memref<128xi32, #tpu.memory_space<vmem>>
      %dma_start3A_160 = arith.constant 0 : i32
      %dma_start3A_161 = arith.constant 0 : i32
      %dma_start3A_162 = tpu.memref_slice %arg17[%dma_start3A_160, %dma_start3A_161] : memref<10000x64xf32, #tpu.memory_space<vmem_shared>> -> memref<10000x64xf32, #tpu.memory_space<vmem_shared>>
      tpu.enqueue_indirect_dma source(%arg15 : memref<128x64xf32, #tpu.memory_space<vmem>>) target(%dma_start3A_162 : memref<10000x64xf32, #tpu.memory_space<vmem_shared>>) offsets(%dma_start3A_159 : memref<128xi32, #tpu.memory_space<vmem>>) semaphore(%arg24 : memref<!tpu.dma_semaphore, #tpu.memory_space<semaphore_mem>>) {add = true}
      %dma_start3A_163 = arith.constant 0 : i32
      %dma_start3A_164 = tpu.memref_slice %arg10[%add3A_143, %dma_start3A_163] : memref<156x128xi32, #tpu.memory_space<vmem>> -> memref<1x128xi32, #tpu.memory_space<vmem>>
      %dma_start3A_165 = tpu.memref_squeeze %dma_start3A_164 : memref<1x128xi32, #tpu.memory_space<vmem>> -> memref<128xi32, #tpu.memory_space<vmem>>
      %dma_start3A_166 = arith.constant 0 : i32
      %dma_start3A_167 = arith.constant 0 : i32
      %dma_start3A_168 = tpu.memref_slice %arg2[%dma_start3A_166, %dma_start3A_167] : memref<20000x64xf32, #tpu.memory_space<hbm>> -> memref<20000x64xf32, #tpu.memory_space<hbm>>
      tpu.enqueue_indirect_dma source(%dma_start3A_168 : memref<20000x64xf32, #tpu.memory_space<hbm>>) target(%arg13 : memref<128x64xf32, #tpu.memory_space<vmem>>) offsets(%dma_start3A_165 : memref<128xi32, #tpu.memory_space<vmem>>) semaphore(%arg18 : memref<!tpu.dma_semaphore, #tpu.memory_space<semaphore_mem>>)
      %mul3A_169 = arith.constant 4 : i32
      %mul3A_170 = arith.muli %scan3A_138, %mul3A_169 : i32
      %add3A_171 = arith.constant 4 : i32
      %add3A_172 = arith.addi %add3A_171, %mul3A_170 : i32
      %add3A_173 = arith.constant 1 : i32
      %add3A_174 = arith.addi %add3A_172, %add3A_173 : i32
      %dma_wait3A_175 = arith.constant 0 : i32
      %dma_wait3A_176 = arith.constant 0 : i32
      %dma_wait3A_177 = tpu.memref_slice %arg17[%dma_wait3A_175, %dma_wait3A_176] : memref<10000x64xf32, #tpu.memory_space<vmem_shared>> -> memref<128x64xf32, #tpu.memory_space<vmem_shared>>
      %dma_wait3A_178 = arith.constant 0 : i32
      %dma_wait3A_179 = arith.constant 0 : i32
      %dma_wait3A_180 = tpu.memref_slice %arg17[%dma_wait3A_178, %dma_wait3A_179] : memref<10000x64xf32, #tpu.memory_space<vmem_shared>> -> memref<128x64xf32, #tpu.memory_space<vmem_shared>>
      tpu.wait_dma2 semaphore(%arg23 : memref<!tpu.dma_semaphore, #tpu.memory_space<semaphore_mem>>) src(%arg14 : memref<128x64xf32, #tpu.memory_space<vmem>>) dst(%dma_wait3A_180 : memref<128x64xf32, #tpu.memory_space<vmem_shared>>)
      %dma_wait3A_181 = arith.constant 0 : i32
      %dma_wait3A_182 = arith.constant 0 : i32
      %dma_wait3A_183 = tpu.memref_slice %arg2[%dma_wait3A_181, %dma_wait3A_182] : memref<20000x64xf32, #tpu.memory_space<hbm>> -> memref<128x64xf32, #tpu.memory_space<hbm>>
      %dma_wait3A_184 = arith.constant 0 : i32
      %dma_wait3A_185 = arith.constant 0 : i32
      %dma_wait3A_186 = tpu.memref_slice %arg2[%dma_wait3A_184, %dma_wait3A_185] : memref<20000x64xf32, #tpu.memory_space<hbm>> -> memref<128x64xf32, #tpu.memory_space<hbm>>
      tpu.wait_dma2 semaphore(%arg21 : memref<!tpu.dma_semaphore, #tpu.memory_space<semaphore_mem>>) src(%dma_wait3A_186 : memref<128x64xf32, #tpu.memory_space<hbm>>) dst(%arg16 : memref<128x64xf32, #tpu.memory_space<vmem>>)
      %sub3A_187 = arith.constant 2 : i32
      %sub3A_188 = arith.subi %add3A_174, %sub3A_187 : i32
      %dma_start3A_189 = arith.constant 0 : i32
      %dma_start3A_190 = tpu.memref_slice %arg9[%sub3A_188, %dma_start3A_189] : memref<156x128xi32, #tpu.memory_space<vmem>> -> memref<1x128xi32, #tpu.memory_space<vmem>>
      %dma_start3A_191 = tpu.memref_squeeze %dma_start3A_190 : memref<1x128xi32, #tpu.memory_space<vmem>> -> memref<128xi32, #tpu.memory_space<vmem>>
      %dma_start3A_192 = arith.constant 0 : i32
      %dma_start3A_193 = arith.constant 0 : i32
      %dma_start3A_194 = tpu.memref_slice %arg17[%dma_start3A_192, %dma_start3A_193] : memref<10000x64xf32, #tpu.memory_space<vmem_shared>> -> memref<10000x64xf32, #tpu.memory_space<vmem_shared>>
      tpu.enqueue_indirect_dma source(%arg16 : memref<128x64xf32, #tpu.memory_space<vmem>>) target(%dma_start3A_194 : memref<10000x64xf32, #tpu.memory_space<vmem_shared>>) offsets(%dma_start3A_191 : memref<128xi32, #tpu.memory_space<vmem>>) semaphore(%arg25 : memref<!tpu.dma_semaphore, #tpu.memory_space<semaphore_mem>>) {add = true}
      %dma_start3A_195 = arith.constant 0 : i32
      %dma_start3A_196 = tpu.memref_slice %arg10[%add3A_174, %dma_start3A_195] : memref<156x128xi32, #tpu.memory_space<vmem>> -> memref<1x128xi32, #tpu.memory_space<vmem>>
      %dma_start3A_197 = tpu.memref_squeeze %dma_start3A_196 : memref<1x128xi32, #tpu.memory_space<vmem>> -> memref<128xi32, #tpu.memory_space<vmem>>
      %dma_start3A_198 = arith.constant 0 : i32
      %dma_start3A_199 = arith.constant 0 : i32
      %dma_start3A_200 = tpu.memref_slice %arg2[%dma_start3A_198, %dma_start3A_199] : memref<20000x64xf32, #tpu.memory_space<hbm>> -> memref<20000x64xf32, #tpu.memory_space<hbm>>
      tpu.enqueue_indirect_dma source(%dma_start3A_200 : memref<20000x64xf32, #tpu.memory_space<hbm>>) target(%arg14 : memref<128x64xf32, #tpu.memory_space<vmem>>) offsets(%dma_start3A_197 : memref<128xi32, #tpu.memory_space<vmem>>) semaphore(%arg19 : memref<!tpu.dma_semaphore, #tpu.memory_space<semaphore_mem>>)
      %mul3A_201 = arith.constant 4 : i32
      %mul3A_202 = arith.muli %scan3A_138, %mul3A_201 : i32
      %add3A_203 = arith.constant 4 : i32
      %add3A_204 = arith.addi %add3A_203, %mul3A_202 : i32
      %add3A_205 = arith.constant 2 : i32
      %add3A_206 = arith.addi %add3A_204, %add3A_205 : i32
      %dma_wait3A_207 = arith.constant 0 : i32
      %dma_wait3A_208 = arith.constant 0 : i32
      %dma_wait3A_209 = tpu.memref_slice %arg17[%dma_wait3A_207, %dma_wait3A_208] : memref<10000x64xf32, #tpu.memory_space<vmem_shared>> -> memref<128x64xf32, #tpu.memory_space<vmem_shared>>
      %dma_wait3A_210 = arith.constant 0 : i32
      %dma_wait3A_211 = arith.constant 0 : i32
      %dma_wait3A_212 = tpu.memref_slice %arg17[%dma_wait3A_210, %dma_wait3A_211] : memref<10000x64xf32, #tpu.memory_space<vmem_shared>> -> memref<128x64xf32, #tpu.memory_space<vmem_shared>>
      tpu.wait_dma2 semaphore(%arg24 : memref<!tpu.dma_semaphore, #tpu.memory_space<semaphore_mem>>) src(%arg15 : memref<128x64xf32, #tpu.memory_space<vmem>>) dst(%dma_wait3A_212 : memref<128x64xf32, #tpu.memory_space<vmem_shared>>)
      %dma_wait3A_213 = arith.constant 0 : i32
      %dma_wait3A_214 = arith.constant 0 : i32
      %dma_wait3A_215 = tpu.memref_slice %arg2[%dma_wait3A_213, %dma_wait3A_214] : memref<20000x64xf32, #tpu.memory_space<hbm>> -> memref<128x64xf32, #tpu.memory_space<hbm>>
      %dma_wait3A_216 = arith.constant 0 : i32
      %dma_wait3A_217 = arith.constant 0 : i32
      %dma_wait3A_218 = tpu.memref_slice %arg2[%dma_wait3A_216, %dma_wait3A_217] : memref<20000x64xf32, #tpu.memory_space<hbm>> -> memref<128x64xf32, #tpu.memory_space<hbm>>
      tpu.wait_dma2 semaphore(%arg18 : memref<!tpu.dma_semaphore, #tpu.memory_space<semaphore_mem>>) src(%dma_wait3A_218 : memref<128x64xf32, #tpu.memory_space<hbm>>) dst(%arg13 : memref<128x64xf32, #tpu.memory_space<vmem>>)
      %sub3A_219 = arith.constant 2 : i32
      %sub3A_220 = arith.subi %add3A_206, %sub3A_219 : i32
      %dma_start3A_221 = arith.constant 0 : i32
      %dma_start3A_222 = tpu.memref_slice %arg9[%sub3A_220, %dma_start3A_221] : memref<156x128xi32, #tpu.memory_space<vmem>> -> memref<1x128xi32, #tpu.memory_space<vmem>>
      %dma_start3A_223 = tpu.memref_squeeze %dma_start3A_222 : memref<1x128xi32, #tpu.memory_space<vmem>> -> memref<128xi32, #tpu.memory_space<vmem>>
      %dma_start3A_224 = arith.constant 0 : i32
      %dma_start3A_225 = arith.constant 0 : i32
      %dma_start3A_226 = tpu.memref_slice %arg17[%dma_start3A_224, %dma_start3A_225] : memref<10000x64xf32, #tpu.memory_space<vmem_shared>> -> memref<10000x64xf32, #tpu.memory_space<vmem_shared>>
      tpu.enqueue_indirect_dma source(%arg13 : memref<128x64xf32, #tpu.memory_space<vmem>>) target(%dma_start3A_226 : memref<10000x64xf32, #tpu.memory_space<vmem_shared>>) offsets(%dma_start3A_223 : memref<128xi32, #tpu.memory_space<vmem>>) semaphore(%arg22 : memref<!tpu.dma_semaphore, #tpu.memory_space<semaphore_mem>>) {add = true}
      %dma_start3A_227 = arith.constant 0 : i32
      %dma_start3A_228 = tpu.memref_slice %arg10[%add3A_206, %dma_start3A_227] : memref<156x128xi32, #tpu.memory_space<vmem>> -> memref<1x128xi32, #tpu.memory_space<vmem>>
      %dma_start3A_229 = tpu.memref_squeeze %dma_start3A_228 : memref<1x128xi32, #tpu.memory_space<vmem>> -> memref<128xi32, #tpu.memory_space<vmem>>
      %dma_start3A_230 = arith.constant 0 : i32
      %dma_start3A_231 = arith.constant 0 : i32
      %dma_start3A_232 = tpu.memref_slice %arg2[%dma_start3A_230, %dma_start3A_231] : memref<20000x64xf32, #tpu.memory_space<hbm>> -> memref<20000x64xf32, #tpu.memory_space<hbm>>
      tpu.enqueue_indirect_dma source(%dma_start3A_232 : memref<20000x64xf32, #tpu.memory_space<hbm>>) target(%arg15 : memref<128x64xf32, #tpu.memory_space<vmem>>) offsets(%dma_start3A_229 : memref<128xi32, #tpu.memory_space<vmem>>) semaphore(%arg20 : memref<!tpu.dma_semaphore, #tpu.memory_space<semaphore_mem>>)
      %mul3A_233 = arith.constant 4 : i32
      %mul3A_234 = arith.muli %scan3A_138, %mul3A_233 : i32
      %add3A_235 = arith.constant 4 : i32
      %add3A_236 = arith.addi %add3A_235, %mul3A_234 : i32
      %add3A_237 = arith.constant 3 : i32
      %add3A_238 = arith.addi %add3A_236, %add3A_237 : i32
      %dma_wait3A_239 = arith.constant 0 : i32
      %dma_wait3A_240 = arith.constant 0 : i32
      %dma_wait3A_241 = tpu.memref_slice %arg17[%dma_wait3A_239, %dma_wait3A_240] : memref<10000x64xf32, #tpu.memory_space<vmem_shared>> -> memref<128x64xf32, #tpu.memory_space<vmem_shared>>
      %dma_wait3A_242 = arith.constant 0 : i32
      %dma_wait3A_243 = arith.constant 0 : i32
      %dma_wait3A_244 = tpu.memref_slice %arg17[%dma_wait3A_242, %dma_wait3A_243] : memref<10000x64xf32, #tpu.memory_space<vmem_shared>> -> memref<128x64xf32, #tpu.memory_space<vmem_shared>>
      tpu.wait_dma2 semaphore(%arg25 : memref<!tpu.dma_semaphore, #tpu.memory_space<semaphore_mem>>) src(%arg16 : memref<128x64xf32, #tpu.memory_space<vmem>>) dst(%dma_wait3A_244 : memref<128x64xf32, #tpu.memory_space<vmem_shared>>)
      %dma_wait3A_245 = arith.constant 0 : i32
      %dma_wait3A_246 = arith.constant 0 : i32
      %dma_wait3A_247 = tpu.memref_slice %arg2[%dma_wait3A_245, %dma_wait3A_246] : memref<20000x64xf32, #tpu.memory_space<hbm>> -> memref<128x64xf32, #tpu.memory_space<hbm>>
      %dma_wait3A_248 = arith.constant 0 : i32
      %dma_wait3A_249 = arith.constant 0 : i32
      %dma_wait3A_250 = tpu.memref_slice %arg2[%dma_wait3A_248, %dma_wait3A_249] : memref<20000x64xf32, #tpu.memory_space<hbm>> -> memref<128x64xf32, #tpu.memory_space<hbm>>
      tpu.wait_dma2 semaphore(%arg19 : memref<!tpu.dma_semaphore, #tpu.memory_space<semaphore_mem>>) src(%dma_wait3A_250 : memref<128x64xf32, #tpu.memory_space<hbm>>) dst(%arg14 : memref<128x64xf32, #tpu.memory_space<vmem>>)
      %sub3A_251 = arith.constant 2 : i32
      %sub3A_252 = arith.subi %add3A_238, %sub3A_251 : i32
      %dma_start3A_253 = arith.constant 0 : i32
      %dma_start3A_254 = tpu.memref_slice %arg9[%sub3A_252, %dma_start3A_253] : memref<156x128xi32, #tpu.memory_space<vmem>> -> memref<1x128xi32, #tpu.memory_space<vmem>>
      %dma_start3A_255 = tpu.memref_squeeze %dma_start3A_254 : memref<1x128xi32, #tpu.memory_space<vmem>> -> memref<128xi32, #tpu.memory_space<vmem>>
      %dma_start3A_256 = arith.constant 0 : i32
      %dma_start3A_257 = arith.constant 0 : i32
      %dma_start3A_258 = tpu.memref_slice %arg17[%dma_start3A_256, %dma_start3A_257] : memref<10000x64xf32, #tpu.memory_space<vmem_shared>> -> memref<10000x64xf32, #tpu.memory_space<vmem_shared>>
      tpu.enqueue_indirect_dma source(%arg14 : memref<128x64xf32, #tpu.memory_space<vmem>>) target(%dma_start3A_258 : memref<10000x64xf32, #tpu.memory_space<vmem_shared>>) offsets(%dma_start3A_255 : memref<128xi32, #tpu.memory_space<vmem>>) semaphore(%arg23 : memref<!tpu.dma_semaphore, #tpu.memory_space<semaphore_mem>>) {add = true}
      %dma_start3A_259 = arith.constant 0 : i32
      %dma_start3A_260 = tpu.memref_slice %arg10[%add3A_238, %dma_start3A_259] : memref<156x128xi32, #tpu.memory_space<vmem>> -> memref<1x128xi32, #tpu.memory_space<vmem>>
      %dma_start3A_261 = tpu.memref_squeeze %dma_start3A_260 : memref<1x128xi32, #tpu.memory_space<vmem>> -> memref<128xi32, #tpu.memory_space<vmem>>
      %dma_start3A_262 = arith.constant 0 : i32
      %dma_start3A_263 = arith.constant 0 : i32
      %dma_start3A_264 = tpu.memref_slice %arg2[%dma_start3A_262, %dma_start3A_263] : memref<20000x64xf32, #tpu.memory_space<hbm>> -> memref<20000x64xf32, #tpu.memory_space<hbm>>
      tpu.enqueue_indirect_dma source(%dma_start3A_264 : memref<20000x64xf32, #tpu.memory_space<hbm>>) target(%arg16 : memref<128x64xf32, #tpu.memory_space<vmem>>) offsets(%dma_start3A_261 : memref<128xi32, #tpu.memory_space<vmem>>) semaphore(%arg21 : memref<!tpu.dma_semaphore, #tpu.memory_space<semaphore_mem>>)
    }
    %scan3A_70 = arith.constant 38 : i32
    %dma_wait3A_71 = arith.constant 0 : i32
    %dma_wait3A_72 = arith.constant 0 : i32
    %dma_wait3A_73 = tpu.memref_slice %arg2[%dma_wait3A_71, %dma_wait3A_72] : memref<20000x64xf32, #tpu.memory_space<hbm>> -> memref<128x64xf32, #tpu.memory_space<hbm>>
    %dma_wait3A_74 = arith.constant 0 : i32
    %dma_wait3A_75 = arith.constant 0 : i32
    %dma_wait3A_76 = tpu.memref_slice %arg2[%dma_wait3A_74, %dma_wait3A_75] : memref<20000x64xf32, #tpu.memory_space<hbm>> -> memref<128x64xf32, #tpu.memory_space<hbm>>
    tpu.wait_dma2 semaphore(%arg20 : memref<!tpu.dma_semaphore, #tpu.memory_space<semaphore_mem>>) src(%dma_wait3A_76 : memref<128x64xf32, #tpu.memory_space<hbm>>) dst(%arg15 : memref<128x64xf32, #tpu.memory_space<vmem>>)
    %dma_start3A_77 = arith.constant 154 : i32
    %dma_start3A_78 = arith.constant 0 : i32
    %dma_start3A_79 = tpu.memref_slice %arg9[%dma_start3A_77, %dma_start3A_78] : memref<156x128xi32, #tpu.memory_space<vmem>> -> memref<1x128xi32, #tpu.memory_space<vmem>>
    %dma_start3A_80 = tpu.memref_squeeze %dma_start3A_79 : memref<1x128xi32, #tpu.memory_space<vmem>> -> memref<128xi32, #tpu.memory_space<vmem>>
    %dma_start3A_81 = arith.constant 0 : i32
    %dma_start3A_82 = arith.constant 0 : i32
    %dma_start3A_83 = tpu.memref_slice %arg17[%dma_start3A_81, %dma_start3A_82] : memref<10000x64xf32, #tpu.memory_space<vmem_shared>> -> memref<10000x64xf32, #tpu.memory_space<vmem_shared>>
    tpu.enqueue_indirect_dma source(%arg15 : memref<128x64xf32, #tpu.memory_space<vmem>>) target(%dma_start3A_83 : memref<10000x64xf32, #tpu.memory_space<vmem_shared>>) offsets(%dma_start3A_80 : memref<128xi32, #tpu.memory_space<vmem>>) semaphore(%arg24 : memref<!tpu.dma_semaphore, #tpu.memory_space<semaphore_mem>>) {add = true}
    %dma_wait3A_84 = arith.constant 0 : i32
    %dma_wait3A_85 = arith.constant 0 : i32
    %dma_wait3A_86 = tpu.memref_slice %arg2[%dma_wait3A_84, %dma_wait3A_85] : memref<20000x64xf32, #tpu.memory_space<hbm>> -> memref<128x64xf32, #tpu.memory_space<hbm>>
    %dma_wait3A_87 = arith.constant 0 : i32
    %dma_wait3A_88 = arith.constant 0 : i32
    %dma_wait3A_89 = tpu.memref_slice %arg2[%dma_wait3A_87, %dma_wait3A_88] : memref<20000x64xf32, #tpu.memory_space<hbm>> -> memref<128x64xf32, #tpu.memory_space<hbm>>
    tpu.wait_dma2 semaphore(%arg21 : memref<!tpu.dma_semaphore, #tpu.memory_space<semaphore_mem>>) src(%dma_wait3A_89 : memref<128x64xf32, #tpu.memory_space<hbm>>) dst(%arg16 : memref<128x64xf32, #tpu.memory_space<vmem>>)
    %dma_start3A_90 = arith.constant 155 : i32
    %dma_start3A_91 = arith.constant 0 : i32
    %dma_start3A_92 = tpu.memref_slice %arg9[%dma_start3A_90, %dma_start3A_91] : memref<156x128xi32, #tpu.memory_space<vmem>> -> memref<1x128xi32, #tpu.memory_space<vmem>>
    %dma_start3A_93 = tpu.memref_squeeze %dma_start3A_92 : memref<1x128xi32, #tpu.memory_space<vmem>> -> memref<128xi32, #tpu.memory_space<vmem>>
    %dma_start3A_94 = arith.constant 0 : i32
    %dma_start3A_95 = arith.constant 0 : i32
    %dma_start3A_96 = tpu.memref_slice %arg17[%dma_start3A_94, %dma_start3A_95] : memref<10000x64xf32, #tpu.memory_space<vmem_shared>> -> memref<10000x64xf32, #tpu.memory_space<vmem_shared>>
    tpu.enqueue_indirect_dma source(%arg16 : memref<128x64xf32, #tpu.memory_space<vmem>>) target(%dma_start3A_96 : memref<10000x64xf32, #tpu.memory_space<vmem_shared>>) offsets(%dma_start3A_93 : memref<128xi32, #tpu.memory_space<vmem>>) semaphore(%arg25 : memref<!tpu.dma_semaphore, #tpu.memory_space<semaphore_mem>>) {add = true}
    %dma_wait3A_97 = arith.constant 0 : i32
    %dma_wait3A_98 = arith.constant 0 : i32
    %dma_wait3A_99 = tpu.memref_slice %arg17[%dma_wait3A_97, %dma_wait3A_98] : memref<10000x64xf32, #tpu.memory_space<vmem_shared>> -> memref<128x64xf32, #tpu.memory_space<vmem_shared>>
    %dma_wait3A_100 = arith.constant 0 : i32
    %dma_wait3A_101 = arith.constant 0 : i32
    %dma_wait3A_102 = tpu.memref_slice %arg17[%dma_wait3A_100, %dma_wait3A_101] : memref<10000x64xf32, #tpu.memory_space<vmem_shared>> -> memref<128x64xf32, #tpu.memory_space<vmem_shared>>
    tpu.wait_dma2 semaphore(%arg22 : memref<!tpu.dma_semaphore, #tpu.memory_space<semaphore_mem>>) src(%arg13 : memref<128x64xf32, #tpu.memory_space<vmem>>) dst(%dma_wait3A_102 : memref<128x64xf32, #tpu.memory_space<vmem_shared>>)
    %dma_wait3A_103 = arith.constant 0 : i32
    %dma_wait3A_104 = arith.constant 0 : i32
    %dma_wait3A_105 = tpu.memref_slice %arg17[%dma_wait3A_103, %dma_wait3A_104] : memref<10000x64xf32, #tpu.memory_space<vmem_shared>> -> memref<128x64xf32, #tpu.memory_space<vmem_shared>>
    %dma_wait3A_106 = arith.constant 0 : i32
    %dma_wait3A_107 = arith.constant 0 : i32
    %dma_wait3A_108 = tpu.memref_slice %arg17[%dma_wait3A_106, %dma_wait3A_107] : memref<10000x64xf32, #tpu.memory_space<vmem_shared>> -> memref<128x64xf32, #tpu.memory_space<vmem_shared>>
    tpu.wait_dma2 semaphore(%arg23 : memref<!tpu.dma_semaphore, #tpu.memory_space<semaphore_mem>>) src(%arg14 : memref<128x64xf32, #tpu.memory_space<vmem>>) dst(%dma_wait3A_108 : memref<128x64xf32, #tpu.memory_space<vmem_shared>>)
    %dma_wait3A_109 = arith.constant 0 : i32
    %dma_wait3A_110 = arith.constant 0 : i32
    %dma_wait3A_111 = tpu.memref_slice %arg17[%dma_wait3A_109, %dma_wait3A_110] : memref<10000x64xf32, #tpu.memory_space<vmem_shared>> -> memref<128x64xf32, #tpu.memory_space<vmem_shared>>
    %dma_wait3A_112 = arith.constant 0 : i32
    %dma_wait3A_113 = arith.constant 0 : i32
    %dma_wait3A_114 = tpu.memref_slice %arg17[%dma_wait3A_112, %dma_wait3A_113] : memref<10000x64xf32, #tpu.memory_space<vmem_shared>> -> memref<128x64xf32, #tpu.memory_space<vmem_shared>>
    tpu.wait_dma2 semaphore(%arg24 : memref<!tpu.dma_semaphore, #tpu.memory_space<semaphore_mem>>) src(%arg15 : memref<128x64xf32, #tpu.memory_space<vmem>>) dst(%dma_wait3A_114 : memref<128x64xf32, #tpu.memory_space<vmem_shared>>)
    %dma_wait3A_115 = arith.constant 0 : i32
    %dma_wait3A_116 = arith.constant 0 : i32
    %dma_wait3A_117 = tpu.memref_slice %arg17[%dma_wait3A_115, %dma_wait3A_116] : memref<10000x64xf32, #tpu.memory_space<vmem_shared>> -> memref<128x64xf32, #tpu.memory_space<vmem_shared>>
    %dma_wait3A_118 = arith.constant 0 : i32
    %dma_wait3A_119 = arith.constant 0 : i32
    %dma_wait3A_120 = tpu.memref_slice %arg17[%dma_wait3A_118, %dma_wait3A_119] : memref<10000x64xf32, #tpu.memory_space<vmem_shared>> -> memref<128x64xf32, #tpu.memory_space<vmem_shared>>
    tpu.wait_dma2 semaphore(%arg25 : memref<!tpu.dma_semaphore, #tpu.memory_space<semaphore_mem>>) src(%arg16 : memref<128x64xf32, #tpu.memory_space<vmem>>) dst(%dma_wait3A_120 : memref<128x64xf32, #tpu.memory_space<vmem_shared>>)
    %lt3A_121 = arith.constant 4 : i32
    %lt3A_122 = arith.cmpi slt, %arg1, %lt3A_121 : i32
    %convert_element_type3A_123 = arith.extui %lt3A_122 : i1 to i32
    %cond3A_124 = arith.constant 0 : i32
    %cond3A_125 = arith.cmpi ne, %convert_element_type3A_123, %cond3A_124 : i32
    scf.if %cond3A_125 {
      %dma_start3A_138 = arith.constant 0 : i32
      %dma_start3A_139 = arith.constant 0 : i32
      %dma_start3A_140 = tpu.memref_slice %arg12[%dma_start3A_138, %dma_start3A_139] : memref<1x128xi32, #tpu.memory_space<vmem>> -> memref<1x128xi32, #tpu.memory_space<vmem>>
      %dma_start3A_141 = tpu.memref_squeeze %dma_start3A_140 : memref<1x128xi32, #tpu.memory_space<vmem>> -> memref<128xi32, #tpu.memory_space<vmem>>
      %dma_start3A_142 = arith.constant 0 : i32
      %dma_start3A_143 = arith.constant 0 : i32
      %dma_start3A_144 = tpu.memref_slice %arg2[%dma_start3A_142, %dma_start3A_143] : memref<20000x64xf32, #tpu.memory_space<hbm>> -> memref<20000x64xf32, #tpu.memory_space<hbm>>
      tpu.enqueue_indirect_dma source(%dma_start3A_144 : memref<20000x64xf32, #tpu.memory_space<hbm>>) target(%arg13 : memref<128x64xf32, #tpu.memory_space<vmem>>) offsets(%dma_start3A_141 : memref<128xi32, #tpu.memory_space<vmem>>) semaphore(%arg18 : memref<!tpu.dma_semaphore, #tpu.memory_space<semaphore_mem>>)
      %dma_wait3A_145 = arith.constant 0 : i32
      %dma_wait3A_146 = arith.constant 0 : i32
      %dma_wait3A_147 = tpu.memref_slice %arg12[%dma_wait3A_145, %dma_wait3A_146] : memref<1x128xi32, #tpu.memory_space<vmem>> -> memref<1x128xi32, #tpu.memory_space<vmem>>
      %dma_wait3A_148 = tpu.memref_squeeze %dma_wait3A_147 : memref<1x128xi32, #tpu.memory_space<vmem>> -> memref<128xi32, #tpu.memory_space<vmem>>
      %dma_wait3A_149 = arith.constant 0 : i32
      %dma_wait3A_150 = arith.constant 0 : i32
      %dma_wait3A_151 = tpu.memref_slice %arg2[%dma_wait3A_149, %dma_wait3A_150] : memref<20000x64xf32, #tpu.memory_space<hbm>> -> memref<20000x64xf32, #tpu.memory_space<hbm>>
      tpu.wait_indirect_dma semaphore(%arg18 : memref<!tpu.dma_semaphore, #tpu.memory_space<semaphore_mem>>) src(%dma_wait3A_151 : memref<20000x64xf32, #tpu.memory_space<hbm>>) dst(%arg13 : memref<128x64xf32, #tpu.memory_space<vmem>>)
      %run_scoped3A = arith.constant 0 : i32
      "tpu.region"() ({
        %run_scoped3A_152 = tpu.sem_alloc : memref<!tpu.dma_semaphore, #tpu.memory_space<semaphore_mem>>
        %dma_start3A_153 = arith.constant 0 : i32
        %dma_start3A_154 = tpu.memref_slice %arg11[%run_scoped3A, %dma_start3A_153] : memref<1x128xi32, #tpu.memory_space<vmem>> -> memref<1x128xi32, #tpu.memory_space<vmem>>
        %dma_start3A_155 = tpu.memref_squeeze %dma_start3A_154 : memref<1x128xi32, #tpu.memory_space<vmem>> -> memref<128xi32, #tpu.memory_space<vmem>>
        %dma_start3A_156 = arith.constant 0 : i32
        %dma_start3A_157 = arith.constant 0 : i32
        %dma_start3A_158 = tpu.memref_slice %arg17[%dma_start3A_156, %dma_start3A_157] : memref<10000x64xf32, #tpu.memory_space<vmem_shared>> -> memref<10000x64xf32, #tpu.memory_space<vmem_shared>>
        tpu.enqueue_indirect_dma source(%arg13 : memref<128x64xf32, #tpu.memory_space<vmem>>) target(%dma_start3A_158 : memref<10000x64xf32, #tpu.memory_space<vmem_shared>>) offsets(%dma_start3A_155 : memref<128xi32, #tpu.memory_space<vmem>>) semaphore(%run_scoped3A_152 : memref<!tpu.dma_semaphore, #tpu.memory_space<semaphore_mem>>) {add = true}
        %dma_wait3A_159 = arith.constant 0 : i32
        %dma_wait3A_160 = tpu.memref_slice %arg11[%run_scoped3A, %dma_wait3A_159] : memref<1x128xi32, #tpu.memory_space<vmem>> -> memref<1x128xi32, #tpu.memory_space<vmem>>
        %dma_wait3A_161 = tpu.memref_squeeze %dma_wait3A_160 : memref<1x128xi32, #tpu.memory_space<vmem>> -> memref<128xi32, #tpu.memory_space<vmem>>
        %dma_wait3A_162 = arith.constant 0 : i32
        %dma_wait3A_163 = arith.constant 0 : i32
        %dma_wait3A_164 = tpu.memref_slice %arg17[%dma_wait3A_162, %dma_wait3A_163] : memref<10000x64xf32, #tpu.memory_space<vmem_shared>> -> memref<10000x64xf32, #tpu.memory_space<vmem_shared>>
        tpu.wait_indirect_dma semaphore(%run_scoped3A_152 : memref<!tpu.dma_semaphore, #tpu.memory_space<semaphore_mem>>) src(%arg13 : memref<128x64xf32, #tpu.memory_space<vmem>>) dst(%dma_wait3A_164 : memref<10000x64xf32, #tpu.memory_space<vmem_shared>>)
        tpu.yield
      }) : () -> ()
    } else {
    }
    %barrier3A_126 = arith.constant 0 : index
    tpu.barrier barrier_id(%barrier3A_126)
    %mul3A_127 = arith.constant 624 : i32
    %mul3A_128 = arith.muli %arg1, %mul3A_127 : i32
    %mul3A_129 = arith.constant 624 : i32
    %mul3A_130 = arith.muli %arg1, %mul3A_129 : i32
    %mul3A_131 = arith.constant 64 : i32
    %mul3A_132 = arith.muli %arg0, %mul3A_131 : i32
    "tpu.region"() ({
      %run_scoped3A = tpu.sem_alloc : memref<!tpu.dma_semaphore, #tpu.memory_space<semaphore_mem>>
      %dma_start3A_138 = tpu.memref_slice %arg8[%mul3A_130, %mul3A_132] : memref<10000x128xf32, #tpu.memory_space<hbm>> -> memref<624x64xf32, #tpu.memory_space<hbm>>
      %dma_start3A_139 = arith.constant 0 : i32
      %dma_start3A_140 = tpu.memref_slice %arg17[%mul3A_128, %dma_start3A_139] : memref<10000x64xf32, #tpu.memory_space<vmem_shared>> -> memref<624x64xf32, #tpu.memory_space<vmem_shared>>
      tpu.enqueue_dma source(%dma_start3A_140 : memref<624x64xf32, #tpu.memory_space<vmem_shared>>) target(%dma_start3A_138 : memref<624x64xf32, #tpu.memory_space<hbm>>) target_semaphore(%run_scoped3A : memref<!tpu.dma_semaphore, #tpu.memory_space<semaphore_mem>>)
      %dma_wait3A_141 = tpu.memref_slice %arg8[%mul3A_130, %mul3A_132] : memref<10000x128xf32, #tpu.memory_space<hbm>> -> memref<624x64xf32, #tpu.memory_space<hbm>>
      %dma_wait3A_142 = arith.constant 0 : i32
      %dma_wait3A_143 = tpu.memref_slice %arg17[%mul3A_128, %dma_wait3A_142] : memref<10000x64xf32, #tpu.memory_space<vmem_shared>> -> memref<624x64xf32, #tpu.memory_space<vmem_shared>>
      tpu.wait_dma2 semaphore(%run_scoped3A : memref<!tpu.dma_semaphore, #tpu.memory_space<semaphore_mem>>) src(%dma_wait3A_143 : memref<624x64xf32, #tpu.memory_space<vmem_shared>>) dst(%dma_wait3A_141 : memref<624x64xf32, #tpu.memory_space<hbm>>)
      tpu.yield
    }) : () -> ()
    %lt3A_133 = arith.constant 2 : i32
    %lt3A_134 = arith.cmpi slt, %arg1, %lt3A_133 : i32
    %convert_element_type3A_135 = arith.extui %lt3A_134 : i1 to i32
    %cond3A_136 = arith.constant 0 : i32
    %cond3A_137 = arith.cmpi ne, %convert_element_type3A_135, %cond3A_136 : i32
    scf.if %cond3A_137 {
      %mul3A_138 = arith.constant 8 : i32
      %mul3A_139 = arith.muli %arg1, %mul3A_138 : i32
      %add3A = arith.constant 9984 : i32
      %add3A_140 = arith.addi %add3A, %mul3A_139 : i32
      %mul3A_141 = arith.constant 64 : i32
      %mul3A_142 = arith.muli %arg0, %mul3A_141 : i32
      "tpu.region"() ({
        %run_scoped3A = tpu.sem_alloc : memref<!tpu.dma_semaphore, #tpu.memory_space<semaphore_mem>>
        %dma_start3A_143 = tpu.memref_slice %arg8[%add3A_140, %mul3A_142] : memref<10000x128xf32, #tpu.memory_space<hbm>> -> memref<8x64xf32, #tpu.memory_space<hbm>>
        %dma_start3A_144 = arith.constant 0 : i32
        %dma_start3A_145 = tpu.memref_slice %arg17[%add3A_140, %dma_start3A_144] : memref<10000x64xf32, #tpu.memory_space<vmem_shared>> -> memref<8x64xf32, #tpu.memory_space<vmem_shared>>
        tpu.enqueue_dma source(%dma_start3A_145 : memref<8x64xf32, #tpu.memory_space<vmem_shared>>) target(%dma_start3A_143 : memref<8x64xf32, #tpu.memory_space<hbm>>) target_semaphore(%run_scoped3A : memref<!tpu.dma_semaphore, #tpu.memory_space<semaphore_mem>>)
        %dma_wait3A_146 = tpu.memref_slice %arg8[%add3A_140, %mul3A_142] : memref<10000x128xf32, #tpu.memory_space<hbm>> -> memref<8x64xf32, #tpu.memory_space<hbm>>
        %dma_wait3A_147 = arith.constant 0 : i32
        %dma_wait3A_148 = tpu.memref_slice %arg17[%add3A_140, %dma_wait3A_147] : memref<10000x64xf32, #tpu.memory_space<vmem_shared>> -> memref<8x64xf32, #tpu.memory_space<vmem_shared>>
        tpu.wait_dma2 semaphore(%run_scoped3A : memref<!tpu.dma_semaphore, #tpu.memory_space<semaphore_mem>>) src(%dma_wait3A_148 : memref<8x64xf32, #tpu.memory_space<vmem_shared>>) dst(%dma_wait3A_146 : memref<8x64xf32, #tpu.memory_space<hbm>>)
        tpu.yield
      }) : () -> ()
    } else {
    }
    return
  }
}

module attributes {stable_mosaic.version = 14 : i64} {
  func.func @body(%arg0: memref<10000x128xf32, #tpu.memory_space<vmem>>, %arg1: memref<10000x128xf32, #tpu.memory_space<vmem>>, %arg2: memref<1x1xf32, #tpu.memory_space<vmem>>, %arg3: memref<128x128xf32, #tpu.memory_space<vmem>>, %arg4: memref<1x128xf32, #tpu.memory_space<vmem>>, %arg5: memref<1x128xf32, #tpu.memory_space<vmem>>, %arg6: memref<1x128xf32, #tpu.memory_space<vmem>>, %arg7: memref<128x128xf32, #tpu.memory_space<vmem>>, %arg8: memref<1x128xf32, #tpu.memory_space<vmem>>, %arg9: memref<1x128xf32, #tpu.memory_space<vmem>>, %arg10: memref<1x128xf32, #tpu.memory_space<vmem>>, %arg11: memref<10000x128xf32, #tpu.memory_space<vmem>>) attributes {dimension_semantics = [], scalar_prefetch = 0 : i64, scratch_operands = 0 : i64, tpu.core_type = #tpu.core_type<tc>} {
    %get3A = arith.constant 0 : index
    %get3A_0 = arith.constant 0 : index
    %get3A_1 = vector.load %arg2[%get3A, %get3A_0] : memref<1x1xf32, #tpu.memory_space<vmem>>, vector<1x1xf32>
    %get3A_2 = vector.extract %get3A_1[0, 0] : f32 from vector<1x1xf32>
    %get3A_3 = arith.constant 0 : index
    %get3A_4 = arith.constant 0 : index
    %get3A_5 = vector.load %arg0[%get3A_3, %get3A_4] : memref<10000x128xf32, #tpu.memory_space<vmem>>, vector<10000x128xf32>
    %mul3A = vector.broadcast %get3A_2 : f32 to vector<10000x128xf32>
    %mul3A_6 = arith.mulf %mul3A, %get3A_5 : vector<10000x128xf32>
    %get3A_7 = arith.constant 0 : index
    %get3A_8 = arith.constant 0 : index
    %get3A_9 = vector.load %arg1[%get3A_7, %get3A_8] : memref<10000x128xf32, #tpu.memory_space<vmem>>, vector<10000x128xf32>
    %add3A = arith.addf %mul3A_6, %get3A_9 : vector<10000x128xf32>
    %get3A_10 = arith.constant 0 : index
    %get3A_11 = arith.constant 0 : index
    %get3A_12 = vector.load %arg3[%get3A_10, %get3A_11] : memref<128x128xf32, #tpu.memory_space<vmem>>, vector<128x128xf32>
    %dot_general3A = arith.constant dense<0.000000e+00> : vector<10000x128xf32>
    %dot_general3A_13 = tpu.matmul %add3A, %get3A_12, %dot_general3A {dimension_numbers = #tpu.dot_dimension_numbers<[1], [0], [0], [1], [0, 0, 1, 1], [], []>, transpose_lhs_hint = false} : vector<10000x128xf32>, vector<128x128xf32>, vector<10000x128xf32> -> vector<10000x128xf32>
    %get3A_14 = arith.constant 0 : index
    %get3A_15 = arith.constant 0 : index
    %get3A_16 = vector.load %arg4[%get3A_14, %get3A_15] : memref<1x128xf32, #tpu.memory_space<vmem>>, vector<1x128xf32>
    %add3A_17 = vector.broadcast %get3A_16 : vector<1x128xf32> to vector<10000x128xf32>
    %add3A_18 = arith.addf %dot_general3A_13, %add3A_17 : vector<10000x128xf32>
    %reduce_sum3A = arith.constant dense<0.000000e+00> : vector<128xf32>
    %reduce_sum3A_19 = vector.multi_reduction <add>, %add3A_18, %reduce_sum3A [0] : vector<10000x128xf32> to vector<128xf32>
    %broadcast_in_dim3A = vector.shape_cast %reduce_sum3A_19 : vector<128xf32> to vector<1x128xf32>
    %div3A = arith.constant 1.000000e+04 : f32
    %div3A_20 = vector.broadcast %div3A : f32 to vector<1x128xf32>
    %div3A_21 = arith.divf %broadcast_in_dim3A, %div3A_20 : vector<1x128xf32>
    %sub3A = vector.broadcast %div3A_21 : vector<1x128xf32> to vector<10000x128xf32>
    %sub3A_22 = arith.subf %add3A_18, %sub3A : vector<10000x128xf32>
    %sub3A_23 = vector.broadcast %div3A_21 : vector<1x128xf32> to vector<10000x128xf32>
    %sub3A_24 = arith.subf %add3A_18, %sub3A_23 : vector<10000x128xf32>
    %mul3A_25 = arith.mulf %sub3A_22, %sub3A_24 : vector<10000x128xf32>
    %reduce_sum3A_26 = arith.constant dense<0.000000e+00> : vector<128xf32>
    %reduce_sum3A_27 = vector.multi_reduction <add>, %mul3A_25, %reduce_sum3A_26 [0] : vector<10000x128xf32> to vector<128xf32>
    %broadcast_in_dim3A_28 = vector.shape_cast %reduce_sum3A_27 : vector<128xf32> to vector<1x128xf32>
    %div3A_29 = arith.constant 1.000000e+04 : f32
    %div3A_30 = vector.broadcast %div3A_29 : f32 to vector<1x128xf32>
    %div3A_31 = arith.divf %broadcast_in_dim3A_28, %div3A_30 : vector<1x128xf32>
    %sub3A_32 = vector.broadcast %div3A_21 : vector<1x128xf32> to vector<10000x128xf32>
    %sub3A_33 = arith.subf %add3A_18, %sub3A_32 : vector<10000x128xf32>
    %add3A_34 = arith.constant 9.99999974E-6 : f32
    %add3A_35 = vector.broadcast %add3A_34 : f32 to vector<1x128xf32>
    %add3A_36 = arith.addf %div3A_31, %add3A_35 : vector<1x128xf32>
    %rsqrt3A = math.rsqrt %add3A_36 : vector<1x128xf32>
    %mul3A_37 = vector.broadcast %rsqrt3A : vector<1x128xf32> to vector<10000x128xf32>
    %mul3A_38 = arith.mulf %sub3A_33, %mul3A_37 : vector<10000x128xf32>
    %get3A_39 = arith.constant 0 : index
    %get3A_40 = arith.constant 0 : index
    %get3A_41 = vector.load %arg5[%get3A_39, %get3A_40] : memref<1x128xf32, #tpu.memory_space<vmem>>, vector<1x128xf32>
    %mul3A_42 = vector.broadcast %get3A_41 : vector<1x128xf32> to vector<10000x128xf32>
    %mul3A_43 = arith.mulf %mul3A_38, %mul3A_42 : vector<10000x128xf32>
    %get3A_44 = arith.constant 0 : index
    %get3A_45 = arith.constant 0 : index
    %get3A_46 = vector.load %arg6[%get3A_44, %get3A_45] : memref<1x128xf32, #tpu.memory_space<vmem>>, vector<1x128xf32>
    %add3A_47 = vector.broadcast %get3A_46 : vector<1x128xf32> to vector<10000x128xf32>
    %add3A_48 = arith.addf %mul3A_43, %add3A_47 : vector<10000x128xf32>
    %max3A = arith.constant 0.000000e+00 : f32
    %max3A_49 = vector.broadcast %max3A : f32 to vector<10000x128xf32>
    %max3A_50 = arith.maximumf %add3A_48, %max3A_49 : vector<10000x128xf32>
    %get3A_51 = arith.constant 0 : index
    %get3A_52 = arith.constant 0 : index
    %get3A_53 = vector.load %arg7[%get3A_51, %get3A_52] : memref<128x128xf32, #tpu.memory_space<vmem>>, vector<128x128xf32>
    %dot_general3A_54 = arith.constant dense<0.000000e+00> : vector<10000x128xf32>
    %dot_general3A_55 = tpu.matmul %max3A_50, %get3A_53, %dot_general3A_54 {dimension_numbers = #tpu.dot_dimension_numbers<[1], [0], [0], [1], [0, 0, 1, 1], [], []>, transpose_lhs_hint = false} : vector<10000x128xf32>, vector<128x128xf32>, vector<10000x128xf32> -> vector<10000x128xf32>
    %get3A_56 = arith.constant 0 : index
    %get3A_57 = arith.constant 0 : index
    %get3A_58 = vector.load %arg8[%get3A_56, %get3A_57] : memref<1x128xf32, #tpu.memory_space<vmem>>, vector<1x128xf32>
    %add3A_59 = vector.broadcast %get3A_58 : vector<1x128xf32> to vector<10000x128xf32>
    %add3A_60 = arith.addf %dot_general3A_55, %add3A_59 : vector<10000x128xf32>
    %reduce_sum3A_61 = arith.constant dense<0.000000e+00> : vector<128xf32>
    %reduce_sum3A_62 = vector.multi_reduction <add>, %add3A_60, %reduce_sum3A_61 [0] : vector<10000x128xf32> to vector<128xf32>
    %broadcast_in_dim3A_63 = vector.shape_cast %reduce_sum3A_62 : vector<128xf32> to vector<1x128xf32>
    %div3A_64 = arith.constant 1.000000e+04 : f32
    %div3A_65 = vector.broadcast %div3A_64 : f32 to vector<1x128xf32>
    %div3A_66 = arith.divf %broadcast_in_dim3A_63, %div3A_65 : vector<1x128xf32>
    %sub3A_67 = vector.broadcast %div3A_66 : vector<1x128xf32> to vector<10000x128xf32>
    %sub3A_68 = arith.subf %add3A_60, %sub3A_67 : vector<10000x128xf32>
    %sub3A_69 = vector.broadcast %div3A_66 : vector<1x128xf32> to vector<10000x128xf32>
    %sub3A_70 = arith.subf %add3A_60, %sub3A_69 : vector<10000x128xf32>
    %mul3A_71 = arith.mulf %sub3A_68, %sub3A_70 : vector<10000x128xf32>
    %reduce_sum3A_72 = arith.constant dense<0.000000e+00> : vector<128xf32>
    %reduce_sum3A_73 = vector.multi_reduction <add>, %mul3A_71, %reduce_sum3A_72 [0] : vector<10000x128xf32> to vector<128xf32>
    %broadcast_in_dim3A_74 = vector.shape_cast %reduce_sum3A_73 : vector<128xf32> to vector<1x128xf32>
    %div3A_75 = arith.constant 1.000000e+04 : f32
    %div3A_76 = vector.broadcast %div3A_75 : f32 to vector<1x128xf32>
    %div3A_77 = arith.divf %broadcast_in_dim3A_74, %div3A_76 : vector<1x128xf32>
    %sub3A_78 = vector.broadcast %div3A_66 : vector<1x128xf32> to vector<10000x128xf32>
    %sub3A_79 = arith.subf %add3A_60, %sub3A_78 : vector<10000x128xf32>
    %add3A_80 = arith.constant 9.99999974E-6 : f32
    %add3A_81 = vector.broadcast %add3A_80 : f32 to vector<1x128xf32>
    %add3A_82 = arith.addf %div3A_77, %add3A_81 : vector<1x128xf32>
    %rsqrt3A_83 = math.rsqrt %add3A_82 : vector<1x128xf32>
    %mul3A_84 = vector.broadcast %rsqrt3A_83 : vector<1x128xf32> to vector<10000x128xf32>
    %mul3A_85 = arith.mulf %sub3A_79, %mul3A_84 : vector<10000x128xf32>
    %get3A_86 = arith.constant 0 : index
    %get3A_87 = arith.constant 0 : index
    %get3A_88 = vector.load %arg9[%get3A_86, %get3A_87] : memref<1x128xf32, #tpu.memory_space<vmem>>, vector<1x128xf32>
    %mul3A_89 = vector.broadcast %get3A_88 : vector<1x128xf32> to vector<10000x128xf32>
    %mul3A_90 = arith.mulf %mul3A_85, %mul3A_89 : vector<10000x128xf32>
    %get3A_91 = arith.constant 0 : index
    %get3A_92 = arith.constant 0 : index
    %get3A_93 = vector.load %arg10[%get3A_91, %get3A_92] : memref<1x128xf32, #tpu.memory_space<vmem>>, vector<1x128xf32>
    %add3A_94 = vector.broadcast %get3A_93 : vector<1x128xf32> to vector<10000x128xf32>
    %add3A_95 = arith.addf %mul3A_90, %add3A_94 : vector<10000x128xf32>
    %max3A_96 = arith.constant 0.000000e+00 : f32
    %max3A_97 = vector.broadcast %max3A_96 : f32 to vector<10000x128xf32>
    %max3A_98 = arith.maximumf %add3A_95, %max3A_97 : vector<10000x128xf32>
    %swap3A = arith.constant 0 : index
    %swap3A_99 = arith.constant 0 : index
    %swap3A_100 = vector.load %arg11[%swap3A, %swap3A_99] : memref<10000x128xf32, #tpu.memory_space<vmem>>, vector<10000x128xf32>
    tpu.vector_store %arg11[%swap3A, %swap3A_99], %max3A_98 {strides = array<i32>} : memref<10000x128xf32, #tpu.memory_space<vmem>>, vector<10000x128xf32>,
    return
  }
}

</mosaic_0001>

<sc_bundles>
// kernel: kernel.4.cloned.1.call-start
scs
__scs_entry_jumppad:
0x0: {  	(pc) =	sbr.rel $0x88, $3  }
0x1: {  	(tag) =	ssettag $0x0;
	lr =	simm.s32 $0x1  }
0x2: {  	[smem:$0x3F96] =	sst lr;
	_ =	strace $0xD0000000  }
0x3: {  	_ = 	snop  }
0x4: {  	_ = 	snop  }
0x5: {  	_ = 	snop  }
0x6: {  	_ = 	snop  }
0x7: {  	_ = 	snop  }
__scs_overlays_trampoline_lowered:
0x8: {  	[smem:$0x3FA5] =	sst s0  }
0x9: {  	[smem:$0x3FA6] =	sst s1  }
0xa: {  	[smem:$0x3FA7] =	sst s2  }
0xb: {  	[smem:$0x3FA8] =	sst s3  }
0xc: {  	[smem:$0x3FA9] =	sst s4  }
0xd: {  	[smem:$0x3FAA] =	sst s5  }
0xe: {  	[smem:$0x3FAB] =	sst s6  }
0xf: {  	[smem:$0x3FAC] =	sst s7  }
0x10: {  	[smem:$0x3FAD] =	sst s8  }
0x11: {  	[smem:$0x3FAE] =	sst s9;
	s0 =	simm.s32 @!p0 $0x0  }
0x12: {  	s1 =	sld [smem:$0x3F94];
	s0 =	simm.s32 @p0 $0x1  }
0x13: {  	[smem:$0x3FAF] =	sst s0;
	s0 =	simm.s32 @!p1 $0x0  }
0x14: {  	s2 =	sld [smem:$0x3F93];
	s0 =	simm.s32 @p1 $0x1  }
0x15: {  	[smem:$0x3FB0] =	sst s0;
	s0 =	simm.s32 @!p2 $0x0  }
0x16: {  	s3 =	sld [smem:$0x3FDB];
	s0 =	simm.s32 @p2 $0x1  }
0x17: {  	s4 =	simm.s32 $0x1BF5;
	[smem:$0x3FB2] =	sst s0  }
0x18: {  	s0 =	sld [smem:$0x3F95];
	_ =	swait.ge [sflag:s4], $0x0  }
0x19: {  	s7 =	sld [smem:$0x3F96]  }
0x1a: {  	s8 =	sadd.s32 $0xFFFFE003, lr  }
0x1b: {  	s9 =	sadd.s32 $0xFFFFFEF7, lr;
	s5 =	simm.s32 $0xFFFFFFFF;
	p2 =	slt.u32 s8, $0xFFFFF086  }
0x1c: {  	p1 =	slt.u32 s9, $0xF7A;
	s5 =	simm.s32 @!p2 $0x0  }
0x1d: {  	s5 =	simm.s32 @p1 $0x1;
	p0 =	seq.s32 s7, s2  }
0x1e: {  	s7 =	smul.u32 @!p0 $0xF7A, s2;
	p2 =	seq.s32 @!p0 s5, $0x0  }
0x1f: {  	s9 =	smul.u32 $0xF7A, s1;
	s8 =	simm.s32 @!p0 $0x1BF5;
	p2 =	por !p2, p0  }
0x20: {  	[sflag:s8] =	ssyncset.s32 @!p0 $0xFFFFF086;
	s6 =	sadd.s32 @!p0 s3, s7;
	s7 =	simm.s32 @!p0 $0x108  }
0x21: {  	s3 =	sadd.s32 s3, s9;
	s6 =	sadd.s32 @!p0 $0x88, s6;
	s7 =	simm.s32 @p2 $0x1082  }
0x22: {  	[simem:s7], [sflag:s8] =	dma.local @!p0 [hbm:s6], $0xF7A  }
0x23: {  	s9 =	sor.u32 $0xD0000000, s2;
	s6 =	simm.s32 $0x108;
	_ =	swait.ge @!p0 [sflag:s8], $0x0  }
0x24: {  	s3 =	sadd.s32 $0x88, s3;
	s6 =	simm.s32 @!p1 $0x1082;
	[sflag:s4] =	ssyncset.s32 $0xFFFFF086  }
0x25: {  	[simem:s6], [sflag:s4] =	dma.local [hbm:s3], $0xF7A  }
0x26: {  	[smem:$0x3F96] =	sst s1;
	(tag) =	ssettag s2;
	_ =	strace s9  }
0x27: {  	s1 =	sld [smem:$0x3FA6]  }
0x28: {  	s2 =	sld [smem:$0x3FA7]  }
0x29: {  	s4 =	sld [smem:$0x3FA9]  }
0x2a: {  	p0 =	seq.s32 s5, $0x0;
	s5 =	sld [smem:$0x3FAA]  }
0x2b: {  	s6 =	sld [smem:$0x3FAB]  }
0x2c: {  	s7 =	sld [smem:$0x3FAC]  }
0x2d: {  	s3 =	simm.s32 $0x108;
	s8 =	sld [smem:$0x3FAD]  }
0x2e: {  	s3 =	simm.s32 @!p0 $0x1082;
	s9 =	sld [smem:$0x3FAE]  }
0x2f: {  	lr =	sadd.s32 s0, s3;
	s0 =	sld [smem:$0x3FA5]  }
0x30: {  	s3 =	sld [smem:$0x3FA8]  }
0x31: {  	[smem:$0x3FB1] =	sst s10  }
0x32: {  	s10 =	sld [smem:$0x3FAF];
	_ =	sdelay $0x3  }
0x33: {  	p0 =	seq.s32 s10, $0x1;
	s10 =	sld [smem:$0x3FB1];
	_ =	sdelay $0x3  }
0x34: {  	[smem:$0x3FB1] =	sst s10  }
0x35: {  	s10 =	sld [smem:$0x3FB0];
	_ =	sdelay $0x3  }
0x36: {  	p1 =	seq.s32 s10, $0x1;
	s10 =	sld [smem:$0x3FB1];
	_ =	sdelay $0x3  }
0x37: {  	[smem:$0x3FB1] =	sst s10  }
0x38: {  	s10 =	sld [smem:$0x3FB2]  }
0x39: {  	_ = 	snop;
	(pc) =	sbr.ind lr, $3  }
0x3a: {  	_ = 	snop  }
0x3b: {  	_ = 	snop  }
0x3c: {  	p2 =	seq.s32 s10, $0x1;
	s10 =	sld [smem:$0x3FB1]  }
0x3d: {  	_ =	shalt  }
0x3e: {  	_ =	shalt  }
0x3f: {  	_ =	shalt  }
0x40: {  	_ =	shalt  }
0x41: {  	_ =	shalt  }
0x42: {  	_ =	shalt  }
0x43: {  	_ =	shalt  }
0x44: {  	_ =	shalt  }
0x45: {  	_ =	shalt  }
0x46: {  	_ =	shalt  }
0x47: {  	_ =	shalt  }
0x48: {  	_ =	shalt  }
0x49: {  	_ =	shalt  }
0x4a: {  	_ =	shalt  }
0x4b: {  	_ =	shalt  }
0x4c: {  	_ =	shalt  }
0x4d: {  	_ =	shalt  }
0x4e: {  	_ =	shalt  }
0x4f: {  	_ =	shalt  }
0x50: {  	_ =	shalt  }
0x51: {  	_ =	shalt  }
0x52: {  	_ =	shalt  }
0x53: {  	_ =	shalt  }
0x54: {  	_ =	shalt  }
0x55: {  	_ =	shalt  }
0x56: {  	_ =	shalt  }
0x57: {  	_ =	shalt  }
0x58: {  	_ =	shalt  }
0x59: {  	_ =	shalt  }
0x5a: {  	_ =	shalt  }
0x5b: {  	_ =	shalt  }
0x5c: {  	_ =	shalt  }
0x5d: {  	_ =	shalt  }
0x5e: {  	_ =	shalt  }
0x5f: {  	_ =	shalt  }
0x60: {  	_ =	shalt  }
0x61: {  	_ =	shalt  }
0x62: {  	_ =	shalt  }
0x63: {  	_ =	shalt  }
0x64: {  	_ =	shalt  }
0x65: {  	_ =	shalt  }
0x66: {  	_ =	shalt  }
0x67: {  	_ =	shalt  }
0x68: {  	_ =	shalt  }
0x69: {  	_ =	shalt  }
0x6a: {  	_ =	shalt  }
0x6b: {  	_ =	shalt  }
0x6c: {  	_ =	shalt  }
0x6d: {  	_ =	shalt  }
0x6e: {  	_ =	shalt  }
0x6f: {  	_ =	shalt  }
0x70: {  	_ =	shalt  }
0x71: {  	_ =	shalt  }
0x72: {  	_ =	shalt  }
0x73: {  	_ =	shalt  }
0x74: {  	_ =	shalt  }
0x75: {  	_ =	shalt  }
0x76: {  	_ =	shalt  }
0x77: {  	_ =	shalt  }
0x78: {  	_ =	shalt  }
0x79: {  	_ =	shalt  }
0x7a: {  	_ =	shalt  }
0x7b: {  	_ =	shalt  }
0x7c: {  	_ =	shalt  }
0x7d: {  	_ =	shalt  }
0x7e: {  	_ =	shalt  }
0x7f: {  	_ =	shalt  }
0x80: {  	_ =	shalt  }
0x81: {  	_ =	shalt  }
0x82: {  	_ =	shalt  }
0x83: {  	_ =	shalt  }
0x84: {  	_ =	shalt  }
0x85: {  	_ =	shalt  }
0x86: {  	_ =	shalt  }
0x87: {  	_ =	shalt  }
.Lfunc_end0:
.L_simem_size_0:
called_computation_lowered:
.L_overlay_start_0:
0x88: {  	s2 =	sld [smem:$0x3FD9]  }
0x89: {  	s3 =	sld [smem:$0x3FFE];
	_ =	sdelay $0x1  }
0x8a: {  	s1 =	srdreg.scid  }
0x8b: {  	s0 =	sand.u32 $0x1, s1  }
0x8c: {  	s17 =	sshll.u32 s0, $0xA;
	s2 =	sadd.s32 s3, s2  }
0x8d: {  	s2 =	sadd.s32 s2, s17  }
0x8e: {  	[smem:$0x3FBD] =	sst s2  }
0x8f: {  	_ = 	snop  }
0x90: {  	s2 =	sld [smem:$0x3FC9]  }
0x91: {  	s18 =	sld [smem:$0x3FD0];
	(tm) =	ssettm $0x1  }
0x92: {  	s4 =	sld [smem:$0x3FFB];
	_ =	sdelay $0x3  }
0x93: {  	_ =	strace s4  }
0x94: {  	s4 =	sld [smem:$0x3FFC];
	_ =	sdelay $0x3  }
0x95: {  	_ =	strace s4  }
0x96: {  	s4 =	sld [smem:$0x3FFD];
	_ =	sdelay $0x3  }
0x97: {  	_ =	strace s4  }
0x98: {  	_ =	strace $0x8FFFFFFF  }
0x99: {  	s19 =	sld [smem:$0x3FDB];
	_ =	sdelay $0x1  }
0x9a: {  	s5 =	simm.s32 $_scs_section_size  }
0x9b: {  	s6 =	simm.s32 $_size__tile_overlayer_lowered;
	s7 =	simm.s32 $_tile_overlayer_lowered  }
0x9c: {  	s22 =	simm.s32 $0x1BFF;
	s21 =	sshll.u32 s7, $0x1;
	s4 =	sadd.s32 s5, s19  }
0x9d: {  	s8 =	simm.s32 $0x0;
	s20 =	sshll.u32 s6, $0x1;
	s6 =	sadd.s32 s21, s4  }
0x9e: {  	[timem:s8], [sflag:s22] =	dma.local [hbm:s6], s20  }
0x9f: {  	_ =	swait.ge [sflag:s22], s20  }
0xa0: {  	s5 =	ssub.s32 $0x0, s20;
	[sflag:s22] =	ssyncset.done $0x0  }
0xa1: {  	[sflag:s22] =	ssyncadd.s32 s5;
	_ =	sdelay $0x1  }
0xa2: {  	s23 =	simm.s32 $0x1B8B  }
0xa3: {  	_ =	swait.ge [sflag:s23], $0x1  }
0xa4: {  	[sflag:s23] =	ssyncset.done $0x0  }
0xa5: {  	s25 =	simm.s32 $0x1B8E;
	s24 =	sld [smem:$0x3FFE];
	[sflag:s23] =	ssyncadd.s32 $0xFFFFFFFF  }
0xa6: {  	s26 =	simm.s32 $execute0_lowered;
	[smem:$0x3FD2] =	sst s25  }
0xa7: {  	s6 =	sshll.u32 s26, $0x1;
	_ =	strace $0x80000046;
	[dreg:$0x1] =	wrdreg $0xFFFFFFFF  }
0xa8: {  	s28 =	simm.s32 $_size_execute0_lowered;
	s4 =	sadd.s32 s4, s6;
	[dreg:$0x0] =	wrdreg $0x0  }
0xa9: {  	s6 =	sshll.u32 s28, $0x1;
	[dreg:$0x2] =	wrdreg s4  }
0xaa: {  	[dreg:$0x3] =	wrdreg s6  }
0xab: {  	[dreg:$0x4] =	wrdreg $0xC0  }
0xac: {  	_ =	task [dreg:s8], $0x5FFFF  }
0xad: {  	[dreg:$0x1] =	wrdreg $0xFFFFFFFF  }
0xae: {  	[dreg:$0x0] =	wrdreg $0x60  }
0xaf: {  	[dreg:$0x2] =	wrdreg s2  }
0xb0: {  	[dreg:$0x3] =	wrdreg s24  }
0xb1: {  	[dreg:$0x4] =	wrdreg s18  }
0xb2: {  	[dreg:$0x5] =	wrdreg $0x11D000  }
0xb3: {  	[dreg:$0x6] =	wrdreg $0x9  }
0xb4: {  	_ =	task.clear_ibuf [dreg:s8], $0x7FFFF;
	_ =	strace $0x90000046  }
0xb5: {  	s29 =	simm.s32 $0x9;
	_ =	strace $0x80000048  }
0xb6: {  	_ =	swait.ge [sflag:s29], $0x1  }
0xb7: {  	[sflag:s29] =	ssyncadd.s32 $0xFFFFFFFF  }
0xb8: {  	_ =	strace $0x90000048  }
0xb9: {  	_ =	sfence  }
0xba: {  	s30 =	sld [smem:$0x0];
	_ =	sdelay $0x2  }
0xbb: {  	s31 =	sshll.u32 s1, $0xD;
	s1 =	sshrl.u32 s1, $0x2  }
0xbc: {  	s3 =	sand.u32 $0x4000, s31;
	s1 =	sadd.s32 s1, s30  }
0xbd: {  	s0 =	sor.u32 s3, s0;
	s1 =	sshll.u32 s1, $0x11  }
0xbe: {  	s0 =	sor.u32 s1, s0  }
0xbf: {  	s0 =	sadd.s32 $0x8F2B, s0  }
0xc0: {  	[sflag:s0] =	ssyncadd.remote.s32 $0x1  }
0xc1: {  	_ =	sfence.sel $0xFFFF  }
0xc2: {  	[dreg:$0x0] =	wrdreg $0xFFFFFFFF;
	(pc) =	sbr.abs _section_cstart, $3  }
0xc3: {  	[dreg:$0x1] =	wrdreg $0xFFFFFFFF  }
0xc4: {  	_ =	task.clear_ibuf [dreg:s8], $0x2FFFF;
	_ =	strace $0x9FFFFFFF  }
0xc5: {  	(tm) =	ssettm $0x7FFFFFFF  }
tec
execute0_lowered:
.L_overlay_start_1:
0x0: {  	(tag) =	ssettag $0x1  }
0x1: {  	s1 =	rddreg [dreg:$0x0]  }
0x2: {  	s0 =	rddreg [dreg:$0x1]  }
0x3: {  	s2 =	rddreg [dreg:$0x2]  }
0x4: {  	s3 =	rddreg [dreg:$0x3];
	s17 =	stileid.u32  }
0x5: {  	s5 =	srdreg.scid;
	s4 =	simm.s32 $0x0;
	s28 =	simm.s32 $0x2  }
0x6: {  	s30 =	simm.s32 $0xFD00;
	s31 =	simm.s32 $0x5;
	s29 =	simm.s32 $0x8  }
0x7: {  	s6 =	smul.u32 $0x9C0, s17;
	s5 =	sand.u32 $0x1, s5;
	[smem:$0x7FF] =	sst s4  }
0x8: {  	s8 =	sadd.s32 $0x1F400, s0;
	s16 =	sshll.u32 s17, $0x4;
	s14 =	sshll.u32 s17, $0x9  }
0x9: {  	s15 =	smul.u32 $0x13800, s17;
	p0 =	sgt.u32 s17, $0x3;
	p1 =	sgt.u32 s17, $0x1  }
0xa: {  	s26 =	sshll.u32 s17, $0x6;
	s7 =	smul.u32 $0x9C00, s5;
	_ =	strace $0x80000047  }
0xb: {  	s10 =	sshll.u32 s5, $0x6;
	s5 =	ssub.s32 $0x2, s5;
	s11 =	sadd.s32 s16, s0  }
0xc: {  	s9 =	sadd.s32 s6, s0;
	s12 =	sshrl.u32 s5, $0x1;
	s11 =	sadd.s32 $0x1F000, s11  }
0xd: {  	s20 =	sor.u32 s10, s15;
	s15 =	simm.s32 $0x4E00;
	s7 =	sadd.s32 s7, s0  }
0xe: {  	s0 =	sadd.s32 s10, s0;
	s5 =	ssub.s32 s5, s12;
	s9 =	sadd.s32 $0x1C00, s9  }
0xf: {  	s12 =	smul.u32 $0x9C00, s17;
	[dreg:$0x6] =	wrdreg s11;
	s11 =	sor.u32 $0x9C000, s14  }
0x10: {  	s22 =	sshrl.u32 s20, $0x3;
	s20 =	simm.s32 $0x9D00;
	[dreg:$0x5] =	wrdreg s9  }
0x11: {  	s7 =	sadd.s32 $0xB800, s7;
	s0 =	sadd.s32 $0x1F200, s0;
	s18 =	sadd.s32 s11, s3  }
0x12: {  	s19 =	sshrl.u32 s11, $0x3;
	s13 =	sadd.s32 s12, s3;
	s9 =	sshrl.u32 s12, $0x3  }
0x13: {  	s12 =	smax.u32 s5, $0x1;
	s14 =	sadd.s32 s6, s7;
	s16 =	sadd.s32 @!p0 s16, s0  }
0x14: {  	s18 =	sshrl.u32 @!p1 s18, $0x3;
	s0 =	simm.s32 $0x3;
	s5 =	simm.s32 $0x0  }
0x15: {  	[dreg:$0x7] =	wrdreg s13;
	s13 =	sshll.u32 s17, $0x3;
	s9 =	sadd.s32 s8, s9  }
0x16: {  	s8 =	sadd.s32 s8, s19;
	s17 =	sor.u32 $0x1C09, s26;
	s19 =	simm.s32 $0x80  }
0x17: {  	s26 =	simm.s32 $0xDD00;
	[dreg:$0x8] =	wrdreg s9;
	s13 =	sor.u32 $0x2700, s13  }
0x18: {  	[dreg:$0x9] =	wrdreg s8;
	s21 =	sshll.u32 s13, $0x7;
	s25 =	sshll.u32 s13, $0x6  }
0x19: {  	s13 =	simm.s32 $0x9;
	s23 =	sor.u32 s10, s21;
	s10 =	sadd.s32 s2, s22  }
0x1a: {  	s22 =	simm.s32 $0xBD00;
	s21 =	simm.s32 $0x4;
	s24 =	sshrl.u32 s23, $0x3  }
0x1b: {  	s23 =	simm.s32 $0x1;
	s11 =	sadd.s32 s2, s24;
	s2 =	sadd.s32 s25, s3  }
0x1c: {  	s24 =	simm.s32 $0x7;
	s25 =	sshrl.u32 @!p1 s2, $0x3;
	s2 =	simm.s32 $0x6  }
.LBB2_1:
0x1d: {  	s6 =	rddreg [dreg:$0x5]  }
0x1e: {  	[tilespmem:s4], [sflag:$0x9] =	stream.linear.gather [hbm4b:s6+s4], $0x4E00, $0x38;
	[tilespmem:$0x1B940] =	vst v63  }
0x1f: {  	_ =	swait.ge [sflag:s13], $0x4E00  }
0x20: {  	[sflag:s13] =	ssyncset.done $0x0  }
0x21: {  	[sflag:s13] =	ssyncadd.s32 $0xFFFFB200  }
0x22: {  	[tilespmem:s15], [sflag:$0x9] =	stream.linear.gather [hbm4b:s14+s4], $0x4E00, $0x38;
	[tilespmem:$0x1B940] =	vst v63  }
0x23: {  	_ =	swait.ge [sflag:s13], $0x4E00  }
0x24: {  	s7 =	simm.s32 @!p0 $0x9C00;
	[sflag:s13] =	ssyncset.done $0x0  }
0x25: {  	s6 =	simm.s32 @!p0 $0x0;
	s8 =	rddreg [dreg:$0x6];
	[sflag:s13] =	ssyncadd.s32 $0xFFFFB200  }
0x26: {  	[tilespmem:s7], [sflag:$0x9] =	stream.linear.gather @!p0 [hbm4b:s8+s6], $0x80, $0x38;
	[tilespmem:$0x1B940] =	vst v63  }
0x27: {  	s7 =	simm.s32 @!p0 $0x9  }
0x28: {  	_ =	swait.ge @!p0 [sflag:s7], $0x80  }
0x29: {  	[sflag:s7] =	ssyncset.done @!p0 $0x0  }
0x2a: {  	s8 =	simm.s32 @!p0 $0x9C80;
	[sflag:s7] =	ssyncadd.s32 @!p0 $0xFFFFFF80  }
0x2b: {  	[tilespmem:s8], [sflag:$0x9] =	stream.linear.gather @!p0 [hbm4b:s16+s6], $0x80, $0x38;
	[tilespmem:$0x1B940] =	vst v63  }
0x2c: {  	_ =	swait.ge @!p0 [sflag:s7], $0x80  }
0x2d: {  	[sflag:s7] =	ssyncset.done @!p0 $0x0;
	s8 =	rddreg [dreg:$0x7]  }
0x2e: {  	s9 =	rddreg [dreg:$0x8];
	[sflag:s7] =	ssyncadd.s32 @!p0 $0xFFFFFF80;
	s6 =	sshrl.u32 s8, $0x3  }
0x2f: {  	[spmem:s6], [sflag:s17] =	dma.local [hbm:s9], $0x1380  }
0x30: {  	_ =	swait.ge [sflag:s13], $0x1380  }
0x31: {  	[sflag:s13] =	ssyncset.done $0x0  }
0x32: {  	s7 =	rddreg [dreg:$0x9];
	[sflag:s13] =	ssyncadd.s32 $0xFFFFEC80  }
0x33: {  	[spmem:s18], [sflag:s17] =	dma.local @!p1 [hbm:s7], $0x40  }
0x34: {  	s7 =	simm.s32 @!p1 $0x9  }
0x35: {  	_ =	swait.ge @!p1 [sflag:s7], $0x40  }
0x36: {  	[sflag:s7] =	ssyncset.done @!p1 $0x0  }
0x37: {  	[sflag:s7] =	ssyncadd.s32 @!p1 $0xFFFFFFC0  }
0x38: {  	[bflag:$0x0] =	sbarrier.arrive $0xFFFF  }
0x39: {  	[tilespmem:s20], [sflag:$0x1] =	stream.indirect.gather [hbm4b:s1+s19], $0x40, s15, s19, $0xb8;
	[tilespmem:$0x1B940] =	vst v63  }
0x3a: {  	s8 =	simm.s32 $0x4E80  }
0x3b: {  	[tilespmem:s22], [sflag:$0x2] =	stream.indirect.gather [hbm4b:s1+s19], $0x40, s8, s19, $0xb8;
	[tilespmem:$0x1B940] =	vst v63  }
0x3c: {  	_ =	swait.ge [sflag:s23], $0x2000  }
0x3d: {  	[sflag:s23] =	ssyncset.done $0x0  }
0x3e: {  	[sflag:s23] =	ssyncadd.s32 $0xFFFFE000  }
0x3f: {  	[spmem:s3] =	stream.indirect.scatter.add.f32 [tilespmem:s20], [sflag:$0x5], $0x40, s4, s19, $0xb8;
	[tilespmem:$0x1B940] =	vst v63  }
0x40: {  	s9 =	simm.s32 $0x4F00  }
0x41: {  	[tilespmem:s26], [sflag:$0x3] =	stream.indirect.gather [hbm4b:s1+s19], $0x40, s9, s19, $0xb8;
	[tilespmem:$0x1B940] =	vst v63  }
0x42: {  	_ =	swait.ge [sflag:s28], $0x2000  }
0x43: {  	[sflag:s28] =	ssyncset.done $0x0  }
0x44: {  	[sflag:s28] =	ssyncadd.s32 $0xFFFFE000  }
0x45: {  	[spmem:s3] =	stream.indirect.scatter.add.f32 [tilespmem:s22], [sflag:$0x6], $0x40, s19, s19, $0xb8;
	[tilespmem:$0x1B940] =	vst v63  }
0x46: {  	s8 =	simm.s32 $0x4F80  }
0x47: {  	[tilespmem:s30], [sflag:$0x4] =	stream.indirect.gather [hbm4b:s1+s19], $0x40, s8, s19, $0xb8;
	[tilespmem:$0x1B940] =	vst v63  }
0x48: {  	_ =	swait.ge [sflag:s31], $0x2000  }
0x49: {  	[sflag:s31] =	ssyncset.done $0x0  }
0x4a: {  	[sflag:s31] =	ssyncadd.s32 $0xFFFFE000  }
0x4b: {  	_ =	swait.ge [sflag:s0], $0x2000  }
0x4c: {  	[sflag:s0] =	ssyncset.done $0x0  }
0x4d: {  	s9 =	simm.s32 $0x100;
	[sflag:s0] =	ssyncadd.s32 $0xFFFFE000  }
0x4e: {  	[spmem:s3] =	stream.indirect.scatter.add.f32 [tilespmem:s26], [sflag:$0x7], $0x40, s9, s19, $0xb8;
	[tilespmem:$0x1B940] =	vst v63  }
0x4f: {  	s8 =	simm.s32 $0x5000  }
0x50: {  	[tilespmem:s20], [sflag:$0x1] =	stream.indirect.gather [hbm4b:s1+s19], $0x40, s8, s19, $0xb8;
	[tilespmem:$0x1B940] =	vst v63  }
0x51: {  	_ =	swait.ge [sflag:s2], $0x2000  }
0x52: {  	[sflag:s2] =	ssyncset.done $0x0  }
0x53: {  	[sflag:s2] =	ssyncadd.s32 $0xFFFFE000  }
0x54: {  	_ =	swait.ge [sflag:s21], $0x2000  }
0x55: {  	[sflag:s21] =	ssyncset.done $0x0  }
0x56: {  	s9 =	simm.s32 $0x180;
	[sflag:s21] =	ssyncadd.s32 $0xFFFFE000  }
0x57: {  	[spmem:s3] =	stream.indirect.scatter.add.f32 [tilespmem:s30], [sflag:$0x8], $0x40, s9, s19, $0xb8;
	[tilespmem:$0x1B940] =	vst v63  }
0x58: {  	s8 =	simm.s32 $0x5080  }
0x59: {  	[tilespmem:s22], [sflag:$0x2] =	stream.indirect.gather [hbm4b:s1+s19], $0x40, s8, s19, $0xb8;
	[tilespmem:$0x1B940] =	vst v63  }
0x5a: {  	_ =	swait.ge [sflag:s24], $0x2000  }
0x5b: {  	[sflag:s24] =	ssyncset.done $0x0  }
0x5c: {  	[sflag:s24] =	ssyncadd.s32 $0xFFFFE000  }
0x5d: {  	_ =	swait.ge [sflag:s23], $0x2000  }
0x5e: {  	[sflag:s23] =	ssyncset.done $0x0  }
0x5f: {  	s9 =	simm.s32 $0x200;
	[sflag:s23] =	ssyncadd.s32 $0xFFFFE000  }
0x60: {  	[spmem:s3] =	stream.indirect.scatter.add.f32 [tilespmem:s20], [sflag:$0x5], $0x40, s9, s19, $0xb8;
	[tilespmem:$0x1B940] =	vst v63  }
0x61: {  	s8 =	simm.s32 $0x5100  }
0x62: {  	[tilespmem:s26], [sflag:$0x3] =	stream.indirect.gather [hbm4b:s1+s19], $0x40, s8, s19, $0xb8;
	[tilespmem:$0x1B940] =	vst v63  }
0x63: {  	_ =	swait.ge [sflag:s29], $0x2000  }
0x64: {  	[sflag:s29] =	ssyncset.done $0x0  }
0x65: {  	[sflag:s29] =	ssyncadd.s32 $0xFFFFE000  }
0x66: {  	_ =	swait.ge [sflag:s28], $0x2000  }
0x67: {  	s7 =	simm.s32 $0x800;
	[sflag:s28] =	ssyncset.done $0x0  }
0x68: {  	s9 =	simm.s32 $0x280;
	s8 =	simm.s32 $0x5180;
	[sflag:s28] =	ssyncadd.s32 $0xFFFFE000  }
0x69: {  	[spmem:s3] =	stream.indirect.scatter.add.f32 [tilespmem:s22], [sflag:$0x6], $0x40, s9, s19, $0xb8;
	[tilespmem:$0x1B940] =	vst v63  }
.LBB2_2:
0x6a: {  	[tilespmem:s30], [sflag:$0x4] =	stream.indirect.gather [hbm4b:s1+s19], $0x40, s8, s19, $0xb8;
	[tilespmem:$0x1B940] =	vst v63  }
0x6b: {  	s8 =	smov.u32 s7  }
0x6c: {  	p2 =	sne.s32 s7, $0x12800;
	s7 =	sadd.s32 $0x800, s7;
	_ =	swait.ge [sflag:s31], $0x2000  }
0x6d: {  	[sflag:s31] =	ssyncset.done $0x0  }
0x6e: {  	[sflag:s31] =	ssyncadd.s32 $0xFFFFE000  }
0x6f: {  	_ =	swait.ge [sflag:s0], $0x2000  }
0x70: {  	s8 =	sshra.s32 s8, $0x2;
	[sflag:s0] =	ssyncset.done $0x0  }
0x71: {  	s9 =	sadd.s32 $0x100, s8;
	[sflag:s0] =	ssyncadd.s32 $0xFFFFE000  }
0x72: {  	[spmem:s3] =	stream.indirect.scatter.add.f32 [tilespmem:s26], [sflag:$0x7], $0x40, s9, s19, $0xb8;
	[tilespmem:$0x1B940] =	vst v63  }
0x73: {  	s9 =	sadd.s32 $0x5000, s8  }
0x74: {  	[tilespmem:s20], [sflag:$0x1] =	stream.indirect.gather [hbm4b:s1+s19], $0x40, s9, s19, $0xb8;
	[tilespmem:$0x1B940] =	vst v63  }
0x75: {  	_ =	swait.ge [sflag:s2], $0x2000  }
0x76: {  	[sflag:s2] =	ssyncset.done $0x0  }
0x77: {  	[sflag:s2] =	ssyncadd.s32 $0xFFFFE000  }
0x78: {  	_ =	swait.ge [sflag:s21], $0x2000  }
0x79: {  	[sflag:s21] =	ssyncset.done $0x0  }
0x7a: {  	s9 =	sadd.s32 $0x180, s8;
	[sflag:s21] =	ssyncadd.s32 $0xFFFFE000  }
0x7b: {  	[spmem:s3] =	stream.indirect.scatter.add.f32 [tilespmem:s30], [sflag:$0x8], $0x40, s9, s19, $0xb8;
	[tilespmem:$0x1B940] =	vst v63  }
0x7c: {  	s9 =	sadd.s32 $0x5080, s8  }
0x7d: {  	[tilespmem:s22], [sflag:$0x2] =	stream.indirect.gather [hbm4b:s1+s19], $0x40, s9, s19, $0xb8;
	[tilespmem:$0x1B940] =	vst v63  }
0x7e: {  	_ =	swait.ge [sflag:s24], $0x2000  }
0x7f: {  	[sflag:s24] =	ssyncset.done $0x0  }
0x80: {  	[sflag:s24] =	ssyncadd.s32 $0xFFFFE000  }
0x81: {  	_ =	swait.ge [sflag:s23], $0x2000  }
0x82: {  	[sflag:s23] =	ssyncset.done $0x0  }
0x83: {  	s9 =	sadd.s32 $0x200, s8;
	[sflag:s23] =	ssyncadd.s32 $0xFFFFE000  }
0x84: {  	[spmem:s3] =	stream.indirect.scatter.add.f32 [tilespmem:s20], [sflag:$0x5], $0x40, s9, s19, $0xb8;
	[tilespmem:$0x1B940] =	vst v63  }
0x85: {  	s9 =	sadd.s32 $0x5100, s8  }
0x86: {  	[tilespmem:s26], [sflag:$0x3] =	stream.indirect.gather [hbm4b:s1+s19], $0x40, s9, s19, $0xb8;
	[tilespmem:$0x1B940] =	vst v63  }
0x87: {  	_ =	swait.ge [sflag:s29], $0x2000  }
0x88: {  	[sflag:s29] =	ssyncset.done $0x0  }
0x89: {  	[sflag:s29] =	ssyncadd.s32 $0xFFFFE000  }
.Ltmp0:
0x8a: {  	_ =	swait.ge [sflag:s28], $0x2000;
	(pc) =	sbr.rel @p2 .LBB2_2-.Ltmp0, $4  }
0x8b: {  	[sflag:s28] =	ssyncset.done $0x0  }
0x8c: {  	s9 =	sadd.s32 $0x280, s8;
	[sflag:s28] =	ssyncadd.s32 $0xFFFFE000  }
0x8d: {  	[spmem:s3] =	stream.indirect.scatter.add.f32 [tilespmem:s22], [sflag:$0x6], $0x40, s9, s19, $0xb8;
	[tilespmem:$0x1B940] =	vst v63  }
0x8e: {  	s8 =	sadd.s32 $0x5180, s8  }
0x8f: {  	[tilespmem:s30], [sflag:$0x4] =	stream.indirect.gather [hbm4b:s1+s19], $0x40, s8, s19, $0xb8;
	[tilespmem:$0x1B940] =	vst v63  }
0x90: {  	_ =	swait.ge [sflag:s0], $0x2000  }
0x91: {  	[sflag:s0] =	ssyncset.done $0x0  }
0x92: {  	s7 =	simm.s32 $0x4D00;
	[sflag:s0] =	ssyncadd.s32 $0xFFFFE000  }
0x93: {  	[spmem:s3] =	stream.indirect.scatter.add.f32 [tilespmem:s26], [sflag:$0x7], $0x40, s7, s19, $0xb8;
	[tilespmem:$0x1B940] =	vst v63  }
0x94: {  	_ =	swait.ge [sflag:s21], $0x2000  }
0x95: {  	[sflag:s21] =	ssyncset.done $0x0  }
0x96: {  	s8 =	simm.s32 $0x4D80;
	[sflag:s21] =	ssyncadd.s32 $0xFFFFE000  }
0x97: {  	[spmem:s3] =	stream.indirect.scatter.add.f32 [tilespmem:s30], [sflag:$0x8], $0x40, s8, s19, $0xb8;
	[tilespmem:$0x1B940] =	vst v63  }
0x98: {  	_ =	swait.ge [sflag:s31], $0x2000  }
0x99: {  	[sflag:s31] =	ssyncset.done $0x0  }
0x9a: {  	[sflag:s31] =	ssyncadd.s32 $0xFFFFE000  }
0x9b: {  	_ =	swait.ge [sflag:s2], $0x2000  }
0x9c: {  	[sflag:s2] =	ssyncset.done $0x0  }
0x9d: {  	[sflag:s2] =	ssyncadd.s32 $0xFFFFE000  }
0x9e: {  	_ =	swait.ge [sflag:s24], $0x2000  }
0x9f: {  	[sflag:s24] =	ssyncset.done $0x0  }
0xa0: {  	[sflag:s24] =	ssyncadd.s32 $0xFFFFE000  }
0xa1: {  	_ =	swait.ge [sflag:s29], $0x2000  }
0xa2: {  	s9 =	simm.s32 @!p0 $0x9D00;
	[sflag:s29] =	ssyncset.done $0x0  }
0xa3: {  	s7 =	simm.s32 @!p0 $0x80;
	s8 =	simm.s32 @!p0 $0x9C80;
	[sflag:s29] =	ssyncadd.s32 $0xFFFFE000  }
0xa4: {  	[tilespmem:s9], [sflag:$0x1] =	stream.indirect.gather @!p0 [hbm4b:s1+s7], $0x40, s8, s7, $0xb8;
	[tilespmem:$0x1B940] =	vst v63  }
0xa5: {  	s8 =	simm.s32 @!p0 $0x1  }
0xa6: {  	_ =	swait.ge @!p0 [sflag:s8], $0x2000  }
0xa7: {  	[sflag:s8] =	ssyncset.done @!p0 $0x0  }
0xa8: {  	[sflag:s8] =	ssyncadd.s32 @!p0 $0xFFFFE000;
	s8 =	simm.s32 @!p0 $0x9C00  }
0xa9: {  	[spmem:s3] =	stream.indirect.scatter.add.f32 @!p0 [tilespmem:s9], [sflag:$0x9], $0x40, s8, s7, $0xb8;
	[tilespmem:$0x1B940] =	vst v63  }
0xaa: {  	s7 =	simm.s32 @!p0 $0x9  }
0xab: {  	_ =	swait.ge @!p0 [sflag:s7], $0x2000  }
0xac: {  	[sflag:s7] =	ssyncset.done @!p0 $0x0  }
0xad: {  	[sflag:s7] =	ssyncadd.s32 @!p0 $0xFFFFE000  }
0xae: {  	s9 =	simm.s32 $0x10;
	[bflag:$0x0] =	sbarrier.arrive $0xFFFF  }
0xaf: {  	[hbm:s10@s9], [sflag:s17] =	dma.strided [spmem:s6@s29], $0x1380, s23, $0x8   }
0xb0: {  	s5 =	sadd.s32 $0x1, s5;
	_ =	swait.ge [sflag:s13], $0x1380  }
0xb1: {  	p2 =	sne.s32 s5, s12;
	s8 =	simm.s32 @!p1 $0x8;
	[sflag:s13] =	ssyncset.done $0x0  }
0xb2: {  	s7 =	simm.s32 @!p1 $0x10;
	s6 =	simm.s32 @!p1 $0x1;
	[sflag:s13] =	ssyncadd.s32 $0xFFFFEC80  }
0xb3: {  	[hbm:s11@s7], [sflag:s17] =	dma.strided @!p1 [spmem:s25@s8], $0x40, s6, $0x8   }
.Ltmp1:
0xb4: {  	_ = 	snop;
	(pc) =	sbr.rel @p2 .LBB2_1-.Ltmp1, $4  }
0xb5: {  	s6 =	simm.s32 @!p1 $0x9  }
0xb6: {  	_ =	swait.ge @!p1 [sflag:s6], $0x40  }
0xb7: {  	[sflag:s6] =	ssyncset.done @!p1 $0x0  }
0xb8: {  	[sflag:s6] =	ssyncadd.s32 @!p1 $0xFFFFFFC0  }
0xb9: {  	_ =	sfence.sel $0x180000  }
0xba: {  	[bflag:$0x0] =	sbarrier.arrive $0xFFFF  }
0xbb: {  	_ =	strace $0x90000047  }
0xbc: {  	s0 =	stileid.u32;
	[bflag:$0x2] =	sbarrier.arrive $0xFFFF  }
0xbd: {  	p0 =	sne.s32 s0, $0x0;
	s0 =	rddreg [dreg:$0x4]  }
0xbe: {  	s0 =	sadd.s32 @!p0 $0x100000, s0  }
0xbf: {  	[sflag:s0] =	ssyncadd.tile.s32 @!p0 $0x1;
	_ =	shalt  }
.Lfunc_end2:
_tile_overlayer_lowered:
.L_overlay_start_2:
0xc0: {  	(tag) =	ssettag $0x2  }
0xc1: {  	s0 =	rddreg [dreg:$0x0];
	s2 =	stileid.u32  }
0xc2: {  	s1 =	rddreg [dreg:$0x1];
	p0 =	sne.s32 s2, $0x0  }
0xc3: {  	s3 =	rddreg [dreg:$0x2];
	[bflag:$0x3] =	sbarrier.arrive $0xFFFF;
	s2 =	simm.s32 @!p0 $0x1C09  }
0xc4: {  	[timem:s3], [sflag:s2] =	dma.local @!p0 [hbm:s0], s1  }
0xc5: {  	s0 =	simm.s32 @!p0 $0x9  }
0xc6: {  	_ =	swait.ge @!p0 [sflag:s0], s1  }
0xc7: {  	s1 =	ssub.s32 @!p0 $0x0, s1;
	[sflag:s0] =	ssyncset.done @!p0 $0x0  }
0xc8: {  	[sflag:s0] =	ssyncadd.s32 @!p0 s1  }
0xc9: {  	[bflag:$0x3] =	sbarrier.arrive $0xFFFF  }
0xca: {  	_ =	shalt  }

</sc_bundles>
